<compile_context>
chip_gen: v7x
topology: tpu7x:2x2x1
jax: 0.10.2.dev20260603
libtpu: 0.0.44.dev20260713+nightly
codegen_flags: <defaults>
</compile_context>

<pallas_src>
import functools

import jax
import jax.numpy as jnp
from jax import lax
from jax.experimental import pallas as pl
from jax.experimental.pallas import tpu as pltpu
from jax.experimental.pallas import tpu_sc as plsc

LANES = 16
NUM_CORES = 2
NUM_SUBCORES = 16
NUM_WORKERS = NUM_CORES * NUM_SUBCORES
CPAD = 17
ISLICE = 128


def _rsqrt(x):
    i = plsc.bitcast(x, jnp.int32)
    i = 0x5F3759DF - (i >> 1)
    y = plsc.bitcast(i, jnp.float32)
    for _ in range(3):
        y = y * (1.5 - 0.5 * x * y * y)
    return y


def _make_sc_kernel(batch, v16, bpw):
    nchunks = bpw // LANES
    nslices = 2 * bpw // ISLICE
    mesh = plsc.VectorSubcoreMesh(core_axis_name="c", subcore_axis_name="s")

    @functools.partial(
        pl.kernel,
        out_type=jax.ShapeDtypeStruct((batch, 16), jnp.float32),
        mesh=mesh,
        scratch_types=[
            pltpu.VMEM((bpw,), jnp.int32),
            pltpu.VMEM((nslices, ISLICE), jnp.int32),
            pltpu.VMEM((2 * bpw, 16), jnp.float32),
            pltpu.VMEM((bpw, CPAD), jnp.float32),
            pltpu.VMEM((bpw, CPAD), jnp.float32),
            pltpu.SemaphoreType.DMA,
            pltpu.SemaphoreType.DMA,
        ],
        compiler_params=pltpu.CompilerParams(
            needs_layout_passes=False, use_tc_tiling_on_sc=False),
    )
    def sc_kernel(c2w_hbm, ids_hbm, tab_hbm, out_hbm,
                  idx_v, gidx_v, rows_v, c2w_v, out_v, sem_g, sem_c):
        wid = lax.axis_index("s") * NUM_CORES + lax.axis_index("c")
        base = wid * bpw
        lane = lax.iota(jnp.int32, LANES)

        pltpu.sync_copy(ids_hbm.at[pl.ds(base, bpw)], idx_v)
        load = pltpu.async_copy(
            c2w_hbm.at[pl.ds(base, bpw)], c2w_v.at[:, pl.ds(0, 16)], sem_c)

        def build(c, carry):
            e = c * LANES + lane
            cam = plsc.load_gather(idx_v, [e])
            addr = (cam << 3) + cam
            r0 = addr >> 4
            r1 = jnp.minimum(r0 + 1, v16 - 1)
            p0 = e << 1
            plsc.store_scatter(gidx_v, [p0 >> 7, p0 & 127], r0)
            plsc.store_scatter(gidx_v, [(p0 + 1) >> 7, (p0 + 1) & 127], r1)
            return carry

        lax.fori_loop(0, nchunks, build, 0)

        gathers = [
            pltpu.async_copy(tab_hbm.at[gidx_v.at[j]],
                             rows_v.at[pl.ds(j * ISLICE, ISLICE)], sem_g)
            for j in range(nslices)
        ]
        for g in gathers:
            g.wait()
        load.wait()

        def chunk(c, carry):
            e = c * LANES + lane
            cam = plsc.load_gather(idx_v, [e])
            off = ((cam << 3) + cam) & 15
            brow = e << 1

            d = []
            for k in range(9):
                t = off + k
                d.append(plsc.load_gather(rows_v, [brow + (t >> 4), t & 15]))
            cw = [
                plsc.load_gather(
                    c2w_v, [e, jnp.full((LANES,), k, jnp.int32)])
                for k in range(16)
            ]

            a10, a11, a12 = d[3] + 1.0, d[4], d[5]
            a20, a21, a22 = d[6], d[7] + 1.0, d[8]
            n1 = a10 * a10 + a11 * a11 + a12 * a12
            inv1 = _rsqrt(jnp.maximum(n1, 1e-24))
            b10, b11, b12 = a10 * inv1, a11 * inv1, a12 * inv1
            proj = b10 * a20 + b11 * a21 + b12 * a22
            u0 = a20 - proj * b10
            u1 = a21 - proj * b11
            u2 = a22 - proj * b12
            n2 = u0 * u0 + u1 * u1 + u2 * u2
            inv2 = _rsqrt(jnp.maximum(n2, 1e-24))
            b20, b21, b22 = u0 * inv2, u1 * inv2, u2 * inv2
            b30 = b11 * b22 - b12 * b21
            b31 = b12 * b20 - b10 * b22
            b32 = b10 * b21 - b11 * b20

            t = [[b10, b11, b12, d[0]],
                 [b20, b21, b22, d[1]],
                 [b30, b31, b32, d[2]]]

            for i4 in range(4):
                c0, c1, c2 = cw[4 * i4], cw[4 * i4 + 1], cw[4 * i4 + 2]
                c3 = cw[4 * i4 + 3]
                for j in range(4):
                    v = c0 * t[0][j] + c1 * t[1][j] + c2 * t[2][j]
                    if j == 3:
                        v = v + c3
                    plsc.store_scatter(
                        out_v, [e, jnp.full((LANES,), 4 * i4 + j, jnp.int32)],
                        v)
            return carry

        lax.fori_loop(0, nchunks, chunk, 0)
        pltpu.sync_copy(out_v.at[:, pl.ds(0, 16)],
                        out_hbm.at[pl.ds(base, bpw)])

    return sc_kernel


def kernel(camtoworlds, camera_ids, embeds_weight):
    batch = camtoworlds.shape[0]
    bpw = batch // NUM_WORKERS
    num_cameras, dim = embeds_weight.shape
    v16 = num_cameras * dim // 16
    c2w = camtoworlds.reshape(batch, 16)
    tab16 = embeds_weight.reshape(v16, 16)
    sc = _make_sc_kernel(batch, v16, bpw)
    out = sc(c2w, camera_ids, tab16)
    return out.reshape(batch, 4, 4)

# --- scband reference (transcript-rebuilt; emitter-appended) ---
"""Pipeline reference for scband-camera-opt-module-34411277976147 (READ-ONLY COPY).

The authoritative reference and input builder live on the scoring server;
editing this copy changes nothing except your own understanding.
"""

import jax, jax.numpy as jnp
import numpy as np

NUM_CAMERAS = 100000
BATCH = 16384
IDENTITY_ROT6D = jnp.array([1.0, 0.0, 0.0, 0.0, 1.0, 0.0], dtype=jnp.float32)


def _normalize(x, eps=1e-12):
    n = jnp.linalg.norm(x, axis=-1, keepdims=True)
    return x / jnp.maximum(n, eps)


def rotation_6d_to_matrix(d6):
    a1 = d6[..., :3]
    a2 = d6[..., 3:6]
    b1 = _normalize(a1)
    b2 = _normalize(a2 - jnp.sum(b1 * a2, axis=-1, keepdims=True) * b1)
    b3 = jnp.cross(b1, b2)
    return jnp.stack([b1, b2, b3], axis=-2)


def setup_inputs(seed: int = 0) -> dict:
    key = jax.random.key(seed)
    k1, k2, k3 = jax.random.split(key, 3)
    camtoworlds = jax.random.normal(k1, (BATCH, 4, 4), dtype=jnp.float32)
    camera_ids = jax.random.randint(k2, (BATCH,), 0, NUM_CAMERAS, dtype=jnp.int32)
    # learned per-camera 9-dim pose delta embedding table (nn.Embedding(num_cameras, 9))
    embeds_weight = jax.random.normal(k3, (NUM_CAMERAS, 9), dtype=jnp.float32) * 0.01
    return {"camtoworlds": camtoworlds, "camera_ids": camera_ids, "embeds_weight": embeds_weight}


def reference(camtoworlds, camera_ids, embeds_weight):
    # embedding lookup: per-camera pose delta
    delta = jnp.take(embeds_weight, camera_ids, axis=0)  # [B, 9]
    dx = delta[:, :3]
    drot6d = delta[:, 3:] + IDENTITY_ROT6D
    rot_mat = rotation_6d_to_matrix(drot6d)  # [B, 3, 3]
    # build 4x4 transform: [[R, t], [0, 1]]
    top = jnp.concatenate([rot_mat, dx[:, :, None]], axis=-1)  # [B, 3, 4]
    bottom_row = jnp.array([0.0, 0.0, 0.0, 1.0], dtype=camtoworlds.dtype)
    bottom = jnp.broadcast_to(bottom_row, (camtoworlds.shape[0], 1, 4))
    transform = jnp.concatenate([top, bottom], axis=-2)  # [B, 4, 4]
    result = jnp.matmul(camtoworlds, transform)
    return result

if __name__ == "__main__":
    import jax
    _d = setup_inputs()
    print(jax.jit(kernel)(*tuple(_d.values())))

</pallas_src>

<mosaic_0001>
#map = affine_map<(d0, d1) -> (0, 0)>
#map1 = affine_map<(d0, d1) -> (0)>
module attributes {stable_mosaic.version = 14 : i64} {
  func.func @sc_kernel(%arg0: i32, %arg1: i32, %arg2: memref<16384x16xf32, #tpu.memory_space<hbm>>, %arg3: memref<16384xi32, #tpu.memory_space<hbm>>, %arg4: memref<56250x16xf32, #tpu.memory_space<hbm>>, %arg5: memref<16384x16xf32, #tpu.memory_space<hbm>>, %arg6: memref<512xi32, #tpu.memory_space<vmem>>, %arg7: memref<8x128xi32, #tpu.memory_space<vmem>>, %arg8: memref<1024x16xf32, #tpu.memory_space<vmem>>, %arg9: memref<512x17xf32, #tpu.memory_space<vmem>>, %arg10: memref<512x17xf32, #tpu.memory_space<vmem>>, %arg11: memref<!tpu.dma_semaphore, #tpu.memory_space<semaphore_mem>>, %arg12: memref<!tpu.dma_semaphore, #tpu.memory_space<semaphore_mem>>) attributes {dimension_semantics = [#tpu.dimension_semantics<core_parallel>, #tpu.dimension_semantics<subcore_parallel>], iteration_bounds = array<i64: 2, 16>, scalar_prefetch = 0 : i64, scratch_operands = 7 : i64, tpu.core_type = #tpu.core_type<sc_vector_subcore>, window_params = [{transform_indices = #map}, {transform_indices = #map1}, {transform_indices = #map}, {transform_indices = #map}]} {
    %mul3A = arith.constant 2 : i32
    %mul3A_0 = arith.muli %arg1, %mul3A : i32
    %add3A = arith.addi %mul3A_0, %arg0 : i32
    %mul3A_1 = arith.constant 512 : i32
    %mul3A_2 = arith.muli %add3A, %mul3A_1 : i32
    %iota3A = tpu.iota {dimensions = array<i32: 0>} : vector<16xi32>
    "tpu.region"() ({
      %run_scoped3A = tpu.sem_alloc : memref<!tpu.dma_semaphore, #tpu.memory_space<semaphore_mem>>
      %dma_start3A_192 = tpu.memref_slice %arg3[%mul3A_2] : memref<16384xi32, #tpu.memory_space<hbm>> -> memref<512xi32, #tpu.memory_space<hbm>>
      %dma_start3A_193 = tpu.memref_slice %arg3[%mul3A_2] : memref<16384xi32, #tpu.memory_space<hbm>> -> memref<512xi32, #tpu.memory_space<hbm>>
      tpu.enqueue_dma source(%dma_start3A_193 : memref<512xi32, #tpu.memory_space<hbm>>) target(%arg6 : memref<512xi32, #tpu.memory_space<vmem>>) target_semaphore(%run_scoped3A : memref<!tpu.dma_semaphore, #tpu.memory_space<semaphore_mem>>)
      %dma_wait3A_194 = tpu.memref_slice %arg3[%mul3A_2] : memref<16384xi32, #tpu.memory_space<hbm>> -> memref<512xi32, #tpu.memory_space<hbm>>
      %dma_wait3A_195 = tpu.memref_slice %arg3[%mul3A_2] : memref<16384xi32, #tpu.memory_space<hbm>> -> memref<512xi32, #tpu.memory_space<hbm>>
      tpu.wait_dma2 semaphore(%run_scoped3A : memref<!tpu.dma_semaphore, #tpu.memory_space<semaphore_mem>>) src(%dma_wait3A_195 : memref<512xi32, #tpu.memory_space<hbm>>) dst(%arg6 : memref<512xi32, #tpu.memory_space<vmem>>)
      tpu.yield
    }) : () -> ()
    %dma_start3A = arith.constant 0 : i32
    %dma_start3A_3 = arith.constant 0 : i32
    %dma_start3A_4 = tpu.memref_slice %arg9[%dma_start3A, %dma_start3A_3] : memref<512x17xf32, #tpu.memory_space<vmem>> -> memref<512x16xf32, #tpu.memory_space<vmem>>
    %dma_start3A_5 = arith.constant 0 : i32
    %dma_start3A_6 = tpu.memref_slice %arg2[%mul3A_2, %dma_start3A_5] : memref<16384x16xf32, #tpu.memory_space<hbm>> -> memref<512x16xf32, #tpu.memory_space<hbm>>
    %dma_start3A_7 = arith.constant 0 : i32
    %dma_start3A_8 = arith.constant 0 : i32
    %dma_start3A_9 = tpu.memref_slice %arg9[%dma_start3A_7, %dma_start3A_8] : memref<512x17xf32, #tpu.memory_space<vmem>> -> memref<512x16xf32, #tpu.memory_space<vmem>>
    %dma_start3A_10 = arith.constant 0 : i32
    %dma_start3A_11 = tpu.memref_slice %arg2[%mul3A_2, %dma_start3A_10] : memref<16384x16xf32, #tpu.memory_space<hbm>> -> memref<512x16xf32, #tpu.memory_space<hbm>>
    tpu.enqueue_dma source(%dma_start3A_11 : memref<512x16xf32, #tpu.memory_space<hbm>>) target(%dma_start3A_9 : memref<512x16xf32, #tpu.memory_space<vmem>>) target_semaphore(%arg12 : memref<!tpu.dma_semaphore, #tpu.memory_space<semaphore_mem>>)
    %scan3A = arith.constant 0 : i32
    %scan3A_12 = arith.constant 0 : i32
    %scan3A_13 = arith.constant 32 : i32
    %scan3A_14 = arith.addi %scan3A_12, %scan3A_13 : i32
    %scan3A_15 = arith.constant 1 : i32
    scf.for %scan3A_192 = %scan3A_12 to %scan3A_14 step %scan3A_15  : i32 {
      %mul3A_193 = arith.constant 16 : i32
      %mul3A_194 = arith.muli %scan3A_192, %mul3A_193 : i32
      %add3A_195 = vector.broadcast %mul3A_194 : i32 to vector<16xi32>
      %add3A_196 = arith.addi %add3A_195, %iota3A : vector<16xi32>
      %gather3A = tpu.vector_load_idx %arg6[%add3A_196] : memref<512xi32, #tpu.memory_space<vmem>>[vector<16xi32>], vector<16xi32>,
      %shift_left3A = arith.constant 3 : i32
      %shift_left3A_197 = vector.broadcast %shift_left3A : i32 to vector<16xi32>
      %shift_left3A_198 = arith.shli %gather3A, %shift_left3A_197 : vector<16xi32>
      %add3A_199 = arith.addi %shift_left3A_198, %gather3A : vector<16xi32>
      %shift_right_arithmetic3A = arith.constant 4 : i32
      %shift_right_arithmetic3A_200 = vector.broadcast %shift_right_arithmetic3A : i32 to vector<16xi32>
      %shift_right_arithmetic3A_201 = arith.shrsi %add3A_199, %shift_right_arithmetic3A_200 : vector<16xi32>
      %add3A_202 = arith.constant 1 : i32
      %add3A_203 = vector.broadcast %add3A_202 : i32 to vector<16xi32>
      %add3A_204 = arith.addi %shift_right_arithmetic3A_201, %add3A_203 : vector<16xi32>
      %min3A = arith.constant 56249 : i32
      %min3A_205 = vector.broadcast %min3A : i32 to vector<16xi32>
      %min3A_206 = arith.minsi %add3A_204, %min3A_205 : vector<16xi32>
      %shift_left3A_207 = arith.constant 1 : i32
      %shift_left3A_208 = vector.broadcast %shift_left3A_207 : i32 to vector<16xi32>
      %shift_left3A_209 = arith.shli %add3A_196, %shift_left3A_208 : vector<16xi32>
      %shift_right_arithmetic3A_210 = arith.constant 7 : i32
      %shift_right_arithmetic3A_211 = vector.broadcast %shift_right_arithmetic3A_210 : i32 to vector<16xi32>
      %shift_right_arithmetic3A_212 = arith.shrsi %shift_left3A_209, %shift_right_arithmetic3A_211 : vector<16xi32>
      %and3A = arith.constant 127 : i32
      %and3A_213 = vector.broadcast %and3A : i32 to vector<16xi32>
      %and3A_214 = arith.andi %shift_left3A_209, %and3A_213 : vector<16xi32>
      tpu.vector_store_idx %arg7[%shift_right_arithmetic3A_212, %and3A_214], %shift_right_arithmetic3A_201 : memref<8x128xi32, #tpu.memory_space<vmem>>[vector<16xi32>, vector<16xi32>], vector<16xi32>,
      %add3A_215 = arith.constant 1 : i32
      %add3A_216 = vector.broadcast %add3A_215 : i32 to vector<16xi32>
      %add3A_217 = arith.addi %shift_left3A_209, %add3A_216 : vector<16xi32>
      %shift_right_arithmetic3A_218 = arith.constant 7 : i32
      %shift_right_arithmetic3A_219 = vector.broadcast %shift_right_arithmetic3A_218 : i32 to vector<16xi32>
      %shift_right_arithmetic3A_220 = arith.shrsi %add3A_217, %shift_right_arithmetic3A_219 : vector<16xi32>
      %add3A_221 = arith.constant 1 : i32
      %add3A_222 = vector.broadcast %add3A_221 : i32 to vector<16xi32>
      %add3A_223 = arith.addi %shift_left3A_209, %add3A_222 : vector<16xi32>
      %and3A_224 = arith.constant 127 : i32
      %and3A_225 = vector.broadcast %and3A_224 : i32 to vector<16xi32>
      %and3A_226 = arith.andi %add3A_223, %and3A_225 : vector<16xi32>
      tpu.vector_store_idx %arg7[%shift_right_arithmetic3A_220, %and3A_226], %min3A_206 : memref<8x128xi32, #tpu.memory_space<vmem>>[vector<16xi32>, vector<16xi32>], vector<16xi32>,
    }
    %scan3A_16 = arith.constant 32 : i32
    %dma_start3A_17 = arith.constant 0 : i32
    %dma_start3A_18 = arith.constant 0 : i32
    %dma_start3A_19 = arith.constant 0 : i32
    %dma_start3A_20 = tpu.memref_slice %arg8[%dma_start3A_18, %dma_start3A_19] : memref<1024x16xf32, #tpu.memory_space<vmem>> -> memref<128x16xf32, #tpu.memory_space<vmem>>
    %dma_start3A_21 = arith.constant 0 : i32
    %dma_start3A_22 = tpu.memref_slice %arg7[%dma_start3A_17, %dma_start3A_21] : memref<8x128xi32, #tpu.memory_space<vmem>> -> memref<1x128xi32, #tpu.memory_space<vmem>>
    %dma_start3A_23 = tpu.memref_squeeze %dma_start3A_22 : memref<1x128xi32, #tpu.memory_space<vmem>> -> memref<128xi32, #tpu.memory_space<vmem>>
    %dma_start3A_24 = arith.constant 0 : i32
    %dma_start3A_25 = arith.constant 0 : i32
    %dma_start3A_26 = tpu.memref_slice %arg4[%dma_start3A_24, %dma_start3A_25] : memref<56250x16xf32, #tpu.memory_space<hbm>> -> memref<56250x16xf32, #tpu.memory_space<hbm>>
    tpu.enqueue_indirect_dma source(%dma_start3A_26 : memref<56250x16xf32, #tpu.memory_space<hbm>>) target(%dma_start3A_20 : memref<128x16xf32, #tpu.memory_space<vmem>>) offsets(%dma_start3A_23 : memref<128xi32, #tpu.memory_space<vmem>>) semaphore(%arg11 : memref<!tpu.dma_semaphore, #tpu.memory_space<semaphore_mem>>)
    %dma_start3A_27 = arith.constant 1 : i32
    %dma_start3A_28 = arith.constant 128 : i32
    %dma_start3A_29 = arith.constant 0 : i32
    %dma_start3A_30 = tpu.memref_slice %arg8[%dma_start3A_28, %dma_start3A_29] : memref<1024x16xf32, #tpu.memory_space<vmem>> -> memref<128x16xf32, #tpu.memory_space<vmem>>
    %dma_start3A_31 = arith.constant 0 : i32
    %dma_start3A_32 = tpu.memref_slice %arg7[%dma_start3A_27, %dma_start3A_31] : memref<8x128xi32, #tpu.memory_space<vmem>> -> memref<1x128xi32, #tpu.memory_space<vmem>>
    %dma_start3A_33 = tpu.memref_squeeze %dma_start3A_32 : memref<1x128xi32, #tpu.memory_space<vmem>> -> memref<128xi32, #tpu.memory_space<vmem>>
    %dma_start3A_34 = arith.constant 0 : i32
    %dma_start3A_35 = arith.constant 0 : i32
    %dma_start3A_36 = tpu.memref_slice %arg4[%dma_start3A_34, %dma_start3A_35] : memref<56250x16xf32, #tpu.memory_space<hbm>> -> memref<56250x16xf32, #tpu.memory_space<hbm>>
    tpu.enqueue_indirect_dma source(%dma_start3A_36 : memref<56250x16xf32, #tpu.memory_space<hbm>>) target(%dma_start3A_30 : memref<128x16xf32, #tpu.memory_space<vmem>>) offsets(%dma_start3A_33 : memref<128xi32, #tpu.memory_space<vmem>>) semaphore(%arg11 : memref<!tpu.dma_semaphore, #tpu.memory_space<semaphore_mem>>)
    %dma_start3A_37 = arith.constant 2 : i32
    %dma_start3A_38 = arith.constant 256 : i32
    %dma_start3A_39 = arith.constant 0 : i32
    %dma_start3A_40 = tpu.memref_slice %arg8[%dma_start3A_38, %dma_start3A_39] : memref<1024x16xf32, #tpu.memory_space<vmem>> -> memref<128x16xf32, #tpu.memory_space<vmem>>
    %dma_start3A_41 = arith.constant 0 : i32
    %dma_start3A_42 = tpu.memref_slice %arg7[%dma_start3A_37, %dma_start3A_41] : memref<8x128xi32, #tpu.memory_space<vmem>> -> memref<1x128xi32, #tpu.memory_space<vmem>>
    %dma_start3A_43 = tpu.memref_squeeze %dma_start3A_42 : memref<1x128xi32, #tpu.memory_space<vmem>> -> memref<128xi32, #tpu.memory_space<vmem>>
    %dma_start3A_44 = arith.constant 0 : i32
    %dma_start3A_45 = arith.constant 0 : i32
    %dma_start3A_46 = tpu.memref_slice %arg4[%dma_start3A_44, %dma_start3A_45] : memref<56250x16xf32, #tpu.memory_space<hbm>> -> memref<56250x16xf32, #tpu.memory_space<hbm>>
    tpu.enqueue_indirect_dma source(%dma_start3A_46 : memref<56250x16xf32, #tpu.memory_space<hbm>>) target(%dma_start3A_40 : memref<128x16xf32, #tpu.memory_space<vmem>>) offsets(%dma_start3A_43 : memref<128xi32, #tpu.memory_space<vmem>>) semaphore(%arg11 : memref<!tpu.dma_semaphore, #tpu.memory_space<semaphore_mem>>)
    %dma_start3A_47 = arith.constant 3 : i32
    %dma_start3A_48 = arith.constant 384 : i32
    %dma_start3A_49 = arith.constant 0 : i32
    %dma_start3A_50 = tpu.memref_slice %arg8[%dma_start3A_48, %dma_start3A_49] : memref<1024x16xf32, #tpu.memory_space<vmem>> -> memref<128x16xf32, #tpu.memory_space<vmem>>
    %dma_start3A_51 = arith.constant 0 : i32
    %dma_start3A_52 = tpu.memref_slice %arg7[%dma_start3A_47, %dma_start3A_51] : memref<8x128xi32, #tpu.memory_space<vmem>> -> memref<1x128xi32, #tpu.memory_space<vmem>>
    %dma_start3A_53 = tpu.memref_squeeze %dma_start3A_52 : memref<1x128xi32, #tpu.memory_space<vmem>> -> memref<128xi32, #tpu.memory_space<vmem>>
    %dma_start3A_54 = arith.constant 0 : i32
    %dma_start3A_55 = arith.constant 0 : i32
    %dma_start3A_56 = tpu.memref_slice %arg4[%dma_start3A_54, %dma_start3A_55] : memref<56250x16xf32, #tpu.memory_space<hbm>> -> memref<56250x16xf32, #tpu.memory_space<hbm>>
    tpu.enqueue_indirect_dma source(%dma_start3A_56 : memref<56250x16xf32, #tpu.memory_space<hbm>>) target(%dma_start3A_50 : memref<128x16xf32, #tpu.memory_space<vmem>>) offsets(%dma_start3A_53 : memref<128xi32, #tpu.memory_space<vmem>>) semaphore(%arg11 : memref<!tpu.dma_semaphore, #tpu.memory_space<semaphore_mem>>)
    %dma_start3A_57 = arith.constant 4 : i32
    %dma_start3A_58 = arith.constant 512 : i32
    %dma_start3A_59 = arith.constant 0 : i32
    %dma_start3A_60 = tpu.memref_slice %arg8[%dma_start3A_58, %dma_start3A_59] : memref<1024x16xf32, #tpu.memory_space<vmem>> -> memref<128x16xf32, #tpu.memory_space<vmem>>
    %dma_start3A_61 = arith.constant 0 : i32
    %dma_start3A_62 = tpu.memref_slice %arg7[%dma_start3A_57, %dma_start3A_61] : memref<8x128xi32, #tpu.memory_space<vmem>> -> memref<1x128xi32, #tpu.memory_space<vmem>>
    %dma_start3A_63 = tpu.memref_squeeze %dma_start3A_62 : memref<1x128xi32, #tpu.memory_space<vmem>> -> memref<128xi32, #tpu.memory_space<vmem>>
    %dma_start3A_64 = arith.constant 0 : i32
    %dma_start3A_65 = arith.constant 0 : i32
    %dma_start3A_66 = tpu.memref_slice %arg4[%dma_start3A_64, %dma_start3A_65] : memref<56250x16xf32, #tpu.memory_space<hbm>> -> memref<56250x16xf32, #tpu.memory_space<hbm>>
    tpu.enqueue_indirect_dma source(%dma_start3A_66 : memref<56250x16xf32, #tpu.memory_space<hbm>>) target(%dma_start3A_60 : memref<128x16xf32, #tpu.memory_space<vmem>>) offsets(%dma_start3A_63 : memref<128xi32, #tpu.memory_space<vmem>>) semaphore(%arg11 : memref<!tpu.dma_semaphore, #tpu.memory_space<semaphore_mem>>)
    %dma_start3A_67 = arith.constant 5 : i32
    %dma_start3A_68 = arith.constant 640 : i32
    %dma_start3A_69 = arith.constant 0 : i32
    %dma_start3A_70 = tpu.memref_slice %arg8[%dma_start3A_68, %dma_start3A_69] : memref<1024x16xf32, #tpu.memory_space<vmem>> -> memref<128x16xf32, #tpu.memory_space<vmem>>
    %dma_start3A_71 = arith.constant 0 : i32
    %dma_start3A_72 = tpu.memref_slice %arg7[%dma_start3A_67, %dma_start3A_71] : memref<8x128xi32, #tpu.memory_space<vmem>> -> memref<1x128xi32, #tpu.memory_space<vmem>>
    %dma_start3A_73 = tpu.memref_squeeze %dma_start3A_72 : memref<1x128xi32, #tpu.memory_space<vmem>> -> memref<128xi32, #tpu.memory_space<vmem>>
    %dma_start3A_74 = arith.constant 0 : i32
    %dma_start3A_75 = arith.constant 0 : i32
    %dma_start3A_76 = tpu.memref_slice %arg4[%dma_start3A_74, %dma_start3A_75] : memref<56250x16xf32, #tpu.memory_space<hbm>> -> memref<56250x16xf32, #tpu.memory_space<hbm>>
    tpu.enqueue_indirect_dma source(%dma_start3A_76 : memref<56250x16xf32, #tpu.memory_space<hbm>>) target(%dma_start3A_70 : memref<128x16xf32, #tpu.memory_space<vmem>>) offsets(%dma_start3A_73 : memref<128xi32, #tpu.memory_space<vmem>>) semaphore(%arg11 : memref<!tpu.dma_semaphore, #tpu.memory_space<semaphore_mem>>)
    %dma_start3A_77 = arith.constant 6 : i32
    %dma_start3A_78 = arith.constant 768 : i32
    %dma_start3A_79 = arith.constant 0 : i32
    %dma_start3A_80 = tpu.memref_slice %arg8[%dma_start3A_78, %dma_start3A_79] : memref<1024x16xf32, #tpu.memory_space<vmem>> -> memref<128x16xf32, #tpu.memory_space<vmem>>
    %dma_start3A_81 = arith.constant 0 : i32
    %dma_start3A_82 = tpu.memref_slice %arg7[%dma_start3A_77, %dma_start3A_81] : memref<8x128xi32, #tpu.memory_space<vmem>> -> memref<1x128xi32, #tpu.memory_space<vmem>>
    %dma_start3A_83 = tpu.memref_squeeze %dma_start3A_82 : memref<1x128xi32, #tpu.memory_space<vmem>> -> memref<128xi32, #tpu.memory_space<vmem>>
    %dma_start3A_84 = arith.constant 0 : i32
    %dma_start3A_85 = arith.constant 0 : i32
    %dma_start3A_86 = tpu.memref_slice %arg4[%dma_start3A_84, %dma_start3A_85] : memref<56250x16xf32, #tpu.memory_space<hbm>> -> memref<56250x16xf32, #tpu.memory_space<hbm>>
    tpu.enqueue_indirect_dma source(%dma_start3A_86 : memref<56250x16xf32, #tpu.memory_space<hbm>>) target(%dma_start3A_80 : memref<128x16xf32, #tpu.memory_space<vmem>>) offsets(%dma_start3A_83 : memref<128xi32, #tpu.memory_space<vmem>>) semaphore(%arg11 : memref<!tpu.dma_semaphore, #tpu.memory_space<semaphore_mem>>)
    %dma_start3A_87 = arith.constant 7 : i32
    %dma_start3A_88 = arith.constant 896 : i32
    %dma_start3A_89 = arith.constant 0 : i32
    %dma_start3A_90 = tpu.memref_slice %arg8[%dma_start3A_88, %dma_start3A_89] : memref<1024x16xf32, #tpu.memory_space<vmem>> -> memref<128x16xf32, #tpu.memory_space<vmem>>
    %dma_start3A_91 = arith.constant 0 : i32
    %dma_start3A_92 = tpu.memref_slice %arg7[%dma_start3A_87, %dma_start3A_91] : memref<8x128xi32, #tpu.memory_space<vmem>> -> memref<1x128xi32, #tpu.memory_space<vmem>>
    %dma_start3A_93 = tpu.memref_squeeze %dma_start3A_92 : memref<1x128xi32, #tpu.memory_space<vmem>> -> memref<128xi32, #tpu.memory_space<vmem>>
    %dma_start3A_94 = arith.constant 0 : i32
    %dma_start3A_95 = arith.constant 0 : i32
    %dma_start3A_96 = tpu.memref_slice %arg4[%dma_start3A_94, %dma_start3A_95] : memref<56250x16xf32, #tpu.memory_space<hbm>> -> memref<56250x16xf32, #tpu.memory_space<hbm>>
    tpu.enqueue_indirect_dma source(%dma_start3A_96 : memref<56250x16xf32, #tpu.memory_space<hbm>>) target(%dma_start3A_90 : memref<128x16xf32, #tpu.memory_space<vmem>>) offsets(%dma_start3A_93 : memref<128xi32, #tpu.memory_space<vmem>>) semaphore(%arg11 : memref<!tpu.dma_semaphore, #tpu.memory_space<semaphore_mem>>)
    %dma_wait3A = arith.constant 0 : i32
    %dma_wait3A_97 = arith.constant 0 : i32
    %dma_wait3A_98 = arith.constant 0 : i32
    %dma_wait3A_99 = tpu.memref_slice %arg8[%dma_wait3A_97, %dma_wait3A_98] : memref<1024x16xf32, #tpu.memory_space<vmem>> -> memref<128x16xf32, #tpu.memory_space<vmem>>
    %dma_wait3A_100 = arith.constant 0 : i32
    %dma_wait3A_101 = tpu.memref_slice %arg7[%dma_wait3A, %dma_wait3A_100] : memref<8x128xi32, #tpu.memory_space<vmem>> -> memref<1x128xi32, #tpu.memory_space<vmem>>
    %dma_wait3A_102 = tpu.memref_squeeze %dma_wait3A_101 : memref<1x128xi32, #tpu.memory_space<vmem>> -> memref<128xi32, #tpu.memory_space<vmem>>
    %dma_wait3A_103 = arith.constant 0 : i32
    %dma_wait3A_104 = arith.constant 0 : i32
    %dma_wait3A_105 = tpu.memref_slice %arg4[%dma_wait3A_103, %dma_wait3A_104] : memref<56250x16xf32, #tpu.memory_space<hbm>> -> memref<56250x16xf32, #tpu.memory_space<hbm>>
    tpu.wait_indirect_dma semaphore(%arg11 : memref<!tpu.dma_semaphore, #tpu.memory_space<semaphore_mem>>) src(%dma_wait3A_105 : memref<56250x16xf32, #tpu.memory_space<hbm>>) dst(%dma_wait3A_99 : memref<128x16xf32, #tpu.memory_space<vmem>>)
    %dma_wait3A_106 = arith.constant 1 : i32
    %dma_wait3A_107 = arith.constant 128 : i32
    %dma_wait3A_108 = arith.constant 0 : i32
    %dma_wait3A_109 = tpu.memref_slice %arg8[%dma_wait3A_107, %dma_wait3A_108] : memref<1024x16xf32, #tpu.memory_space<vmem>> -> memref<128x16xf32, #tpu.memory_space<vmem>>
    %dma_wait3A_110 = arith.constant 0 : i32
    %dma_wait3A_111 = tpu.memref_slice %arg7[%dma_wait3A_106, %dma_wait3A_110] : memref<8x128xi32, #tpu.memory_space<vmem>> -> memref<1x128xi32, #tpu.memory_space<vmem>>
    %dma_wait3A_112 = tpu.memref_squeeze %dma_wait3A_111 : memref<1x128xi32, #tpu.memory_space<vmem>> -> memref<128xi32, #tpu.memory_space<vmem>>
    %dma_wait3A_113 = arith.constant 0 : i32
    %dma_wait3A_114 = arith.constant 0 : i32
    %dma_wait3A_115 = tpu.memref_slice %arg4[%dma_wait3A_113, %dma_wait3A_114] : memref<56250x16xf32, #tpu.memory_space<hbm>> -> memref<56250x16xf32, #tpu.memory_space<hbm>>
    tpu.wait_indirect_dma semaphore(%arg11 : memref<!tpu.dma_semaphore, #tpu.memory_space<semaphore_mem>>) src(%dma_wait3A_115 : memref<56250x16xf32, #tpu.memory_space<hbm>>) dst(%dma_wait3A_109 : memref<128x16xf32, #tpu.memory_space<vmem>>)
    %dma_wait3A_116 = arith.constant 2 : i32
    %dma_wait3A_117 = arith.constant 256 : i32
    %dma_wait3A_118 = arith.constant 0 : i32
    %dma_wait3A_119 = tpu.memref_slice %arg8[%dma_wait3A_117, %dma_wait3A_118] : memref<1024x16xf32, #tpu.memory_space<vmem>> -> memref<128x16xf32, #tpu.memory_space<vmem>>
    %dma_wait3A_120 = arith.constant 0 : i32
    %dma_wait3A_121 = tpu.memref_slice %arg7[%dma_wait3A_116, %dma_wait3A_120] : memref<8x128xi32, #tpu.memory_space<vmem>> -> memref<1x128xi32, #tpu.memory_space<vmem>>
    %dma_wait3A_122 = tpu.memref_squeeze %dma_wait3A_121 : memref<1x128xi32, #tpu.memory_space<vmem>> -> memref<128xi32, #tpu.memory_space<vmem>>
    %dma_wait3A_123 = arith.constant 0 : i32
    %dma_wait3A_124 = arith.constant 0 : i32
    %dma_wait3A_125 = tpu.memref_slice %arg4[%dma_wait3A_123, %dma_wait3A_124] : memref<56250x16xf32, #tpu.memory_space<hbm>> -> memref<56250x16xf32, #tpu.memory_space<hbm>>
    tpu.wait_indirect_dma semaphore(%arg11 : memref<!tpu.dma_semaphore, #tpu.memory_space<semaphore_mem>>) src(%dma_wait3A_125 : memref<56250x16xf32, #tpu.memory_space<hbm>>) dst(%dma_wait3A_119 : memref<128x16xf32, #tpu.memory_space<vmem>>)
    %dma_wait3A_126 = arith.constant 3 : i32
    %dma_wait3A_127 = arith.constant 384 : i32
    %dma_wait3A_128 = arith.constant 0 : i32
    %dma_wait3A_129 = tpu.memref_slice %arg8[%dma_wait3A_127, %dma_wait3A_128] : memref<1024x16xf32, #tpu.memory_space<vmem>> -> memref<128x16xf32, #tpu.memory_space<vmem>>
    %dma_wait3A_130 = arith.constant 0 : i32
    %dma_wait3A_131 = tpu.memref_slice %arg7[%dma_wait3A_126, %dma_wait3A_130] : memref<8x128xi32, #tpu.memory_space<vmem>> -> memref<1x128xi32, #tpu.memory_space<vmem>>
    %dma_wait3A_132 = tpu.memref_squeeze %dma_wait3A_131 : memref<1x128xi32, #tpu.memory_space<vmem>> -> memref<128xi32, #tpu.memory_space<vmem>>
    %dma_wait3A_133 = arith.constant 0 : i32
    %dma_wait3A_134 = arith.constant 0 : i32
    %dma_wait3A_135 = tpu.memref_slice %arg4[%dma_wait3A_133, %dma_wait3A_134] : memref<56250x16xf32, #tpu.memory_space<hbm>> -> memref<56250x16xf32, #tpu.memory_space<hbm>>
    tpu.wait_indirect_dma semaphore(%arg11 : memref<!tpu.dma_semaphore, #tpu.memory_space<semaphore_mem>>) src(%dma_wait3A_135 : memref<56250x16xf32, #tpu.memory_space<hbm>>) dst(%dma_wait3A_129 : memref<128x16xf32, #tpu.memory_space<vmem>>)
    %dma_wait3A_136 = arith.constant 4 : i32
    %dma_wait3A_137 = arith.constant 512 : i32
    %dma_wait3A_138 = arith.constant 0 : i32
    %dma_wait3A_139 = tpu.memref_slice %arg8[%dma_wait3A_137, %dma_wait3A_138] : memref<1024x16xf32, #tpu.memory_space<vmem>> -> memref<128x16xf32, #tpu.memory_space<vmem>>
    %dma_wait3A_140 = arith.constant 0 : i32
    %dma_wait3A_141 = tpu.memref_slice %arg7[%dma_wait3A_136, %dma_wait3A_140] : memref<8x128xi32, #tpu.memory_space<vmem>> -> memref<1x128xi32, #tpu.memory_space<vmem>>
    %dma_wait3A_142 = tpu.memref_squeeze %dma_wait3A_141 : memref<1x128xi32, #tpu.memory_space<vmem>> -> memref<128xi32, #tpu.memory_space<vmem>>
    %dma_wait3A_143 = arith.constant 0 : i32
    %dma_wait3A_144 = arith.constant 0 : i32
    %dma_wait3A_145 = tpu.memref_slice %arg4[%dma_wait3A_143, %dma_wait3A_144] : memref<56250x16xf32, #tpu.memory_space<hbm>> -> memref<56250x16xf32, #tpu.memory_space<hbm>>
    tpu.wait_indirect_dma semaphore(%arg11 : memref<!tpu.dma_semaphore, #tpu.memory_space<semaphore_mem>>) src(%dma_wait3A_145 : memref<56250x16xf32, #tpu.memory_space<hbm>>) dst(%dma_wait3A_139 : memref<128x16xf32, #tpu.memory_space<vmem>>)
    %dma_wait3A_146 = arith.constant 5 : i32
    %dma_wait3A_147 = arith.constant 640 : i32
    %dma_wait3A_148 = arith.constant 0 : i32
    %dma_wait3A_149 = tpu.memref_slice %arg8[%dma_wait3A_147, %dma_wait3A_148] : memref<1024x16xf32, #tpu.memory_space<vmem>> -> memref<128x16xf32, #tpu.memory_space<vmem>>
    %dma_wait3A_150 = arith.constant 0 : i32
    %dma_wait3A_151 = tpu.memref_slice %arg7[%dma_wait3A_146, %dma_wait3A_150] : memref<8x128xi32, #tpu.memory_space<vmem>> -> memref<1x128xi32, #tpu.memory_space<vmem>>
    %dma_wait3A_152 = tpu.memref_squeeze %dma_wait3A_151 : memref<1x128xi32, #tpu.memory_space<vmem>> -> memref<128xi32, #tpu.memory_space<vmem>>
    %dma_wait3A_153 = arith.constant 0 : i32
    %dma_wait3A_154 = arith.constant 0 : i32
    %dma_wait3A_155 = tpu.memref_slice %arg4[%dma_wait3A_153, %dma_wait3A_154] : memref<56250x16xf32, #tpu.memory_space<hbm>> -> memref<56250x16xf32, #tpu.memory_space<hbm>>
    tpu.wait_indirect_dma semaphore(%arg11 : memref<!tpu.dma_semaphore, #tpu.memory_space<semaphore_mem>>) src(%dma_wait3A_155 : memref<56250x16xf32, #tpu.memory_space<hbm>>) dst(%dma_wait3A_149 : memref<128x16xf32, #tpu.memory_space<vmem>>)
    %dma_wait3A_156 = arith.constant 6 : i32
    %dma_wait3A_157 = arith.constant 768 : i32
    %dma_wait3A_158 = arith.constant 0 : i32
    %dma_wait3A_159 = tpu.memref_slice %arg8[%dma_wait3A_157, %dma_wait3A_158] : memref<1024x16xf32, #tpu.memory_space<vmem>> -> memref<128x16xf32, #tpu.memory_space<vmem>>
    %dma_wait3A_160 = arith.constant 0 : i32
    %dma_wait3A_161 = tpu.memref_slice %arg7[%dma_wait3A_156, %dma_wait3A_160] : memref<8x128xi32, #tpu.memory_space<vmem>> -> memref<1x128xi32, #tpu.memory_space<vmem>>
    %dma_wait3A_162 = tpu.memref_squeeze %dma_wait3A_161 : memref<1x128xi32, #tpu.memory_space<vmem>> -> memref<128xi32, #tpu.memory_space<vmem>>
    %dma_wait3A_163 = arith.constant 0 : i32
    %dma_wait3A_164 = arith.constant 0 : i32
    %dma_wait3A_165 = tpu.memref_slice %arg4[%dma_wait3A_163, %dma_wait3A_164] : memref<56250x16xf32, #tpu.memory_space<hbm>> -> memref<56250x16xf32, #tpu.memory_space<hbm>>
    tpu.wait_indirect_dma semaphore(%arg11 : memref<!tpu.dma_semaphore, #tpu.memory_space<semaphore_mem>>) src(%dma_wait3A_165 : memref<56250x16xf32, #tpu.memory_space<hbm>>) dst(%dma_wait3A_159 : memref<128x16xf32, #tpu.memory_space<vmem>>)
    %dma_wait3A_166 = arith.constant 7 : i32
    %dma_wait3A_167 = arith.constant 896 : i32
    %dma_wait3A_168 = arith.constant 0 : i32
    %dma_wait3A_169 = tpu.memref_slice %arg8[%dma_wait3A_167, %dma_wait3A_168] : memref<1024x16xf32, #tpu.memory_space<vmem>> -> memref<128x16xf32, #tpu.memory_space<vmem>>
    %dma_wait3A_170 = arith.constant 0 : i32
    %dma_wait3A_171 = tpu.memref_slice %arg7[%dma_wait3A_166, %dma_wait3A_170] : memref<8x128xi32, #tpu.memory_space<vmem>> -> memref<1x128xi32, #tpu.memory_space<vmem>>
    %dma_wait3A_172 = tpu.memref_squeeze %dma_wait3A_171 : memref<1x128xi32, #tpu.memory_space<vmem>> -> memref<128xi32, #tpu.memory_space<vmem>>
    %dma_wait3A_173 = arith.constant 0 : i32
    %dma_wait3A_174 = arith.constant 0 : i32
    %dma_wait3A_175 = tpu.memref_slice %arg4[%dma_wait3A_173, %dma_wait3A_174] : memref<56250x16xf32, #tpu.memory_space<hbm>> -> memref<56250x16xf32, #tpu.memory_space<hbm>>
    tpu.wait_indirect_dma semaphore(%arg11 : memref<!tpu.dma_semaphore, #tpu.memory_space<semaphore_mem>>) src(%dma_wait3A_175 : memref<56250x16xf32, #tpu.memory_space<hbm>>) dst(%dma_wait3A_169 : memref<128x16xf32, #tpu.memory_space<vmem>>)
    %dma_wait3A_176 = arith.constant 0 : i32
    %dma_wait3A_177 = arith.constant 0 : i32
    %dma_wait3A_178 = tpu.memref_slice %arg9[%dma_wait3A_176, %dma_wait3A_177] : memref<512x17xf32, #tpu.memory_space<vmem>> -> memref<512x16xf32, #tpu.memory_space<vmem>>
    %dma_wait3A_179 = arith.constant 0 : i32
    %dma_wait3A_180 = tpu.memref_slice %arg2[%mul3A_2, %dma_wait3A_179] : memref<16384x16xf32, #tpu.memory_space<hbm>> -> memref<512x16xf32, #tpu.memory_space<hbm>>
    %dma_wait3A_181 = arith.constant 0 : i32
    %dma_wait3A_182 = arith.constant 0 : i32
    %dma_wait3A_183 = tpu.memref_slice %arg9[%dma_wait3A_181, %dma_wait3A_182] : memref<512x17xf32, #tpu.memory_space<vmem>> -> memref<512x16xf32, #tpu.memory_space<vmem>>
    %dma_wait3A_184 = arith.constant 0 : i32
    %dma_wait3A_185 = tpu.memref_slice %arg2[%mul3A_2, %dma_wait3A_184] : memref<16384x16xf32, #tpu.memory_space<hbm>> -> memref<512x16xf32, #tpu.memory_space<hbm>>
    tpu.wait_dma2 semaphore(%arg12 : memref<!tpu.dma_semaphore, #tpu.memory_space<semaphore_mem>>) src(%dma_wait3A_185 : memref<512x16xf32, #tpu.memory_space<hbm>>) dst(%dma_wait3A_183 : memref<512x16xf32, #tpu.memory_space<vmem>>)
    %scan3A_186 = arith.constant 0 : i32
    %scan3A_187 = arith.constant 0 : i32
    %scan3A_188 = arith.constant 32 : i32
    %scan3A_189 = arith.addi %scan3A_187, %scan3A_188 : i32
    %scan3A_190 = arith.constant 1 : i32
    scf.for %scan3A_192 = %scan3A_187 to %scan3A_189 step %scan3A_190  : i32 {
      %mul3A_193 = arith.constant 16 : i32
      %mul3A_194 = arith.muli %scan3A_192, %mul3A_193 : i32
      %add3A_195 = vector.broadcast %mul3A_194 : i32 to vector<16xi32>
      %add3A_196 = arith.addi %add3A_195, %iota3A : vector<16xi32>
      %gather3A = tpu.vector_load_idx %arg6[%add3A_196] : memref<512xi32, #tpu.memory_space<vmem>>[vector<16xi32>], vector<16xi32>,
      %shift_left3A = arith.constant 3 : i32
      %shift_left3A_197 = vector.broadcast %shift_left3A : i32 to vector<16xi32>
      %shift_left3A_198 = arith.shli %gather3A, %shift_left3A_197 : vector<16xi32>
      %add3A_199 = arith.addi %shift_left3A_198, %gather3A : vector<16xi32>
      %and3A = arith.constant 15 : i32
      %and3A_200 = vector.broadcast %and3A : i32 to vector<16xi32>
      %and3A_201 = arith.andi %add3A_199, %and3A_200 : vector<16xi32>
      %shift_left3A_202 = arith.constant 1 : i32
      %shift_left3A_203 = vector.broadcast %shift_left3A_202 : i32 to vector<16xi32>
      %shift_left3A_204 = arith.shli %add3A_196, %shift_left3A_203 : vector<16xi32>
      %add3A_205 = arith.constant 0 : i32
      %add3A_206 = vector.broadcast %add3A_205 : i32 to vector<16xi32>
      %add3A_207 = arith.addi %and3A_201, %add3A_206 : vector<16xi32>
      %shift_right_arithmetic3A = arith.constant 4 : i32
      %shift_right_arithmetic3A_208 = vector.broadcast %shift_right_arithmetic3A : i32 to vector<16xi32>
      %shift_right_arithmetic3A_209 = arith.shrsi %add3A_207, %shift_right_arithmetic3A_208 : vector<16xi32>
      %add3A_210 = arith.addi %shift_left3A_204, %shift_right_arithmetic3A_209 : vector<16xi32>
      %and3A_211 = arith.constant 15 : i32
      %and3A_212 = vector.broadcast %and3A_211 : i32 to vector<16xi32>
      %and3A_213 = arith.andi %add3A_207, %and3A_212 : vector<16xi32>
      %gather3A_214 = tpu.vector_load_idx %arg8[%add3A_210, %and3A_213] : memref<1024x16xf32, #tpu.memory_space<vmem>>[vector<16xi32>, vector<16xi32>], vector<16xf32>,
      %add3A_215 = arith.constant 1 : i32
      %add3A_216 = vector.broadcast %add3A_215 : i32 to vector<16xi32>
      %add3A_217 = arith.addi %and3A_201, %add3A_216 : vector<16xi32>
      %shift_right_arithmetic3A_218 = arith.constant 4 : i32
      %shift_right_arithmetic3A_219 = vector.broadcast %shift_right_arithmetic3A_218 : i32 to vector<16xi32>
      %shift_right_arithmetic3A_220 = arith.shrsi %add3A_217, %shift_right_arithmetic3A_219 : vector<16xi32>
      %add3A_221 = arith.addi %shift_left3A_204, %shift_right_arithmetic3A_220 : vector<16xi32>
      %and3A_222 = arith.constant 15 : i32
      %and3A_223 = vector.broadcast %and3A_222 : i32 to vector<16xi32>
      %and3A_224 = arith.andi %add3A_217, %and3A_223 : vector<16xi32>
      %gather3A_225 = tpu.vector_load_idx %arg8[%add3A_221, %and3A_224] : memref<1024x16xf32, #tpu.memory_space<vmem>>[vector<16xi32>, vector<16xi32>], vector<16xf32>,
      %add3A_226 = arith.constant 2 : i32
      %add3A_227 = vector.broadcast %add3A_226 : i32 to vector<16xi32>
      %add3A_228 = arith.addi %and3A_201, %add3A_227 : vector<16xi32>
      %shift_right_arithmetic3A_229 = arith.constant 4 : i32
      %shift_right_arithmetic3A_230 = vector.broadcast %shift_right_arithmetic3A_229 : i32 to vector<16xi32>
      %shift_right_arithmetic3A_231 = arith.shrsi %add3A_228, %shift_right_arithmetic3A_230 : vector<16xi32>
      %add3A_232 = arith.addi %shift_left3A_204, %shift_right_arithmetic3A_231 : vector<16xi32>
      %and3A_233 = arith.constant 15 : i32
      %and3A_234 = vector.broadcast %and3A_233 : i32 to vector<16xi32>
      %and3A_235 = arith.andi %add3A_228, %and3A_234 : vector<16xi32>
      %gather3A_236 = tpu.vector_load_idx %arg8[%add3A_232, %and3A_235] : memref<1024x16xf32, #tpu.memory_space<vmem>>[vector<16xi32>, vector<16xi32>], vector<16xf32>,
      %add3A_237 = arith.constant 3 : i32
      %add3A_238 = vector.broadcast %add3A_237 : i32 to vector<16xi32>
      %add3A_239 = arith.addi %and3A_201, %add3A_238 : vector<16xi32>
      %shift_right_arithmetic3A_240 = arith.constant 4 : i32
      %shift_right_arithmetic3A_241 = vector.broadcast %shift_right_arithmetic3A_240 : i32 to vector<16xi32>
      %shift_right_arithmetic3A_242 = arith.shrsi %add3A_239, %shift_right_arithmetic3A_241 : vector<16xi32>
      %add3A_243 = arith.addi %shift_left3A_204, %shift_right_arithmetic3A_242 : vector<16xi32>
      %and3A_244 = arith.constant 15 : i32
      %and3A_245 = vector.broadcast %and3A_244 : i32 to vector<16xi32>
      %and3A_246 = arith.andi %add3A_239, %and3A_245 : vector<16xi32>
      %gather3A_247 = tpu.vector_load_idx %arg8[%add3A_243, %and3A_246] : memref<1024x16xf32, #tpu.memory_space<vmem>>[vector<16xi32>, vector<16xi32>], vector<16xf32>,
      %add3A_248 = arith.constant 4 : i32
      %add3A_249 = vector.broadcast %add3A_248 : i32 to vector<16xi32>
      %add3A_250 = arith.addi %and3A_201, %add3A_249 : vector<16xi32>
      %shift_right_arithmetic3A_251 = arith.constant 4 : i32
      %shift_right_arithmetic3A_252 = vector.broadcast %shift_right_arithmetic3A_251 : i32 to vector<16xi32>
      %shift_right_arithmetic3A_253 = arith.shrsi %add3A_250, %shift_right_arithmetic3A_252 : vector<16xi32>
      %add3A_254 = arith.addi %shift_left3A_204, %shift_right_arithmetic3A_253 : vector<16xi32>
      %and3A_255 = arith.constant 15 : i32
      %and3A_256 = vector.broadcast %and3A_255 : i32 to vector<16xi32>
      %and3A_257 = arith.andi %add3A_250, %and3A_256 : vector<16xi32>
      %gather3A_258 = tpu.vector_load_idx %arg8[%add3A_254, %and3A_257] : memref<1024x16xf32, #tpu.memory_space<vmem>>[vector<16xi32>, vector<16xi32>], vector<16xf32>,
      %add3A_259 = arith.constant 5 : i32
      %add3A_260 = vector.broadcast %add3A_259 : i32 to vector<16xi32>
      %add3A_261 = arith.addi %and3A_201, %add3A_260 : vector<16xi32>
      %shift_right_arithmetic3A_262 = arith.constant 4 : i32
      %shift_right_arithmetic3A_263 = vector.broadcast %shift_right_arithmetic3A_262 : i32 to vector<16xi32>
      %shift_right_arithmetic3A_264 = arith.shrsi %add3A_261, %shift_right_arithmetic3A_263 : vector<16xi32>
      %add3A_265 = arith.addi %shift_left3A_204, %shift_right_arithmetic3A_264 : vector<16xi32>
      %and3A_266 = arith.constant 15 : i32
      %and3A_267 = vector.broadcast %and3A_266 : i32 to vector<16xi32>
      %and3A_268 = arith.andi %add3A_261, %and3A_267 : vector<16xi32>
      %gather3A_269 = tpu.vector_load_idx %arg8[%add3A_265, %and3A_268] : memref<1024x16xf32, #tpu.memory_space<vmem>>[vector<16xi32>, vector<16xi32>], vector<16xf32>,
      %add3A_270 = arith.constant 6 : i32
      %add3A_271 = vector.broadcast %add3A_270 : i32 to vector<16xi32>
      %add3A_272 = arith.addi %and3A_201, %add3A_271 : vector<16xi32>
      %shift_right_arithmetic3A_273 = arith.constant 4 : i32
      %shift_right_arithmetic3A_274 = vector.broadcast %shift_right_arithmetic3A_273 : i32 to vector<16xi32>
      %shift_right_arithmetic3A_275 = arith.shrsi %add3A_272, %shift_right_arithmetic3A_274 : vector<16xi32>
      %add3A_276 = arith.addi %shift_left3A_204, %shift_right_arithmetic3A_275 : vector<16xi32>
      %and3A_277 = arith.constant 15 : i32
      %and3A_278 = vector.broadcast %and3A_277 : i32 to vector<16xi32>
      %and3A_279 = arith.andi %add3A_272, %and3A_278 : vector<16xi32>
      %gather3A_280 = tpu.vector_load_idx %arg8[%add3A_276, %and3A_279] : memref<1024x16xf32, #tpu.memory_space<vmem>>[vector<16xi32>, vector<16xi32>], vector<16xf32>,
      %add3A_281 = arith.constant 7 : i32
      %add3A_282 = vector.broadcast %add3A_281 : i32 to vector<16xi32>
      %add3A_283 = arith.addi %and3A_201, %add3A_282 : vector<16xi32>
      %shift_right_arithmetic3A_284 = arith.constant 4 : i32
      %shift_right_arithmetic3A_285 = vector.broadcast %shift_right_arithmetic3A_284 : i32 to vector<16xi32>
      %shift_right_arithmetic3A_286 = arith.shrsi %add3A_283, %shift_right_arithmetic3A_285 : vector<16xi32>
      %add3A_287 = arith.addi %shift_left3A_204, %shift_right_arithmetic3A_286 : vector<16xi32>
      %and3A_288 = arith.constant 15 : i32
      %and3A_289 = vector.broadcast %and3A_288 : i32 to vector<16xi32>
      %and3A_290 = arith.andi %add3A_283, %and3A_289 : vector<16xi32>
      %gather3A_291 = tpu.vector_load_idx %arg8[%add3A_287, %and3A_290] : memref<1024x16xf32, #tpu.memory_space<vmem>>[vector<16xi32>, vector<16xi32>], vector<16xf32>,
      %add3A_292 = arith.constant 8 : i32
      %add3A_293 = vector.broadcast %add3A_292 : i32 to vector<16xi32>
      %add3A_294 = arith.addi %and3A_201, %add3A_293 : vector<16xi32>
      %shift_right_arithmetic3A_295 = arith.constant 4 : i32
      %shift_right_arithmetic3A_296 = vector.broadcast %shift_right_arithmetic3A_295 : i32 to vector<16xi32>
      %shift_right_arithmetic3A_297 = arith.shrsi %add3A_294, %shift_right_arithmetic3A_296 : vector<16xi32>
      %add3A_298 = arith.addi %shift_left3A_204, %shift_right_arithmetic3A_297 : vector<16xi32>
      %and3A_299 = arith.constant 15 : i32
      %and3A_300 = vector.broadcast %and3A_299 : i32 to vector<16xi32>
      %and3A_301 = arith.andi %add3A_294, %and3A_300 : vector<16xi32>
      %gather3A_302 = tpu.vector_load_idx %arg8[%add3A_298, %and3A_301] : memref<1024x16xf32, #tpu.memory_space<vmem>>[vector<16xi32>, vector<16xi32>], vector<16xf32>,
      %broadcast_in_dim3A = arith.constant 0 : i32
      %broadcast_in_dim3A_303 = vector.broadcast %broadcast_in_dim3A : i32 to vector<16xi32>
      %gather3A_304 = tpu.vector_load_idx %arg9[%add3A_196, %broadcast_in_dim3A_303] : memref<512x17xf32, #tpu.memory_space<vmem>>[vector<16xi32>, vector<16xi32>], vector<16xf32>,
      %broadcast_in_dim3A_305 = arith.constant 1 : i32
      %broadcast_in_dim3A_306 = vector.broadcast %broadcast_in_dim3A_305 : i32 to vector<16xi32>
      %gather3A_307 = tpu.vector_load_idx %arg9[%add3A_196, %broadcast_in_dim3A_306] : memref<512x17xf32, #tpu.memory_space<vmem>>[vector<16xi32>, vector<16xi32>], vector<16xf32>,
      %broadcast_in_dim3A_308 = arith.constant 2 : i32
      %broadcast_in_dim3A_309 = vector.broadcast %broadcast_in_dim3A_308 : i32 to vector<16xi32>
      %gather3A_310 = tpu.vector_load_idx %arg9[%add3A_196, %broadcast_in_dim3A_309] : memref<512x17xf32, #tpu.memory_space<vmem>>[vector<16xi32>, vector<16xi32>], vector<16xf32>,
      %broadcast_in_dim3A_311 = arith.constant 3 : i32
      %broadcast_in_dim3A_312 = vector.broadcast %broadcast_in_dim3A_311 : i32 to vector<16xi32>
      %gather3A_313 = tpu.vector_load_idx %arg9[%add3A_196, %broadcast_in_dim3A_312] : memref<512x17xf32, #tpu.memory_space<vmem>>[vector<16xi32>, vector<16xi32>], vector<16xf32>,
      %broadcast_in_dim3A_314 = arith.constant 4 : i32
      %broadcast_in_dim3A_315 = vector.broadcast %broadcast_in_dim3A_314 : i32 to vector<16xi32>
      %gather3A_316 = tpu.vector_load_idx %arg9[%add3A_196, %broadcast_in_dim3A_315] : memref<512x17xf32, #tpu.memory_space<vmem>>[vector<16xi32>, vector<16xi32>], vector<16xf32>,
      %broadcast_in_dim3A_317 = arith.constant 5 : i32
      %broadcast_in_dim3A_318 = vector.broadcast %broadcast_in_dim3A_317 : i32 to vector<16xi32>
      %gather3A_319 = tpu.vector_load_idx %arg9[%add3A_196, %broadcast_in_dim3A_318] : memref<512x17xf32, #tpu.memory_space<vmem>>[vector<16xi32>, vector<16xi32>], vector<16xf32>,
      %broadcast_in_dim3A_320 = arith.constant 6 : i32
      %broadcast_in_dim3A_321 = vector.broadcast %broadcast_in_dim3A_320 : i32 to vector<16xi32>
      %gather3A_322 = tpu.vector_load_idx %arg9[%add3A_196, %broadcast_in_dim3A_321] : memref<512x17xf32, #tpu.memory_space<vmem>>[vector<16xi32>, vector<16xi32>], vector<16xf32>,
      %broadcast_in_dim3A_323 = arith.constant 7 : i32
      %broadcast_in_dim3A_324 = vector.broadcast %broadcast_in_dim3A_323 : i32 to vector<16xi32>
      %gather3A_325 = tpu.vector_load_idx %arg9[%add3A_196, %broadcast_in_dim3A_324] : memref<512x17xf32, #tpu.memory_space<vmem>>[vector<16xi32>, vector<16xi32>], vector<16xf32>,
      %broadcast_in_dim3A_326 = arith.constant 8 : i32
      %broadcast_in_dim3A_327 = vector.broadcast %broadcast_in_dim3A_326 : i32 to vector<16xi32>
      %gather3A_328 = tpu.vector_load_idx %arg9[%add3A_196, %broadcast_in_dim3A_327] : memref<512x17xf32, #tpu.memory_space<vmem>>[vector<16xi32>, vector<16xi32>], vector<16xf32>,
      %broadcast_in_dim3A_329 = arith.constant 9 : i32
      %broadcast_in_dim3A_330 = vector.broadcast %broadcast_in_dim3A_329 : i32 to vector<16xi32>
      %gather3A_331 = tpu.vector_load_idx %arg9[%add3A_196, %broadcast_in_dim3A_330] : memref<512x17xf32, #tpu.memory_space<vmem>>[vector<16xi32>, vector<16xi32>], vector<16xf32>,
      %broadcast_in_dim3A_332 = arith.constant 10 : i32
      %broadcast_in_dim3A_333 = vector.broadcast %broadcast_in_dim3A_332 : i32 to vector<16xi32>
      %gather3A_334 = tpu.vector_load_idx %arg9[%add3A_196, %broadcast_in_dim3A_333] : memref<512x17xf32, #tpu.memory_space<vmem>>[vector<16xi32>, vector<16xi32>], vector<16xf32>,
      %broadcast_in_dim3A_335 = arith.constant 11 : i32
      %broadcast_in_dim3A_336 = vector.broadcast %broadcast_in_dim3A_335 : i32 to vector<16xi32>
      %gather3A_337 = tpu.vector_load_idx %arg9[%add3A_196, %broadcast_in_dim3A_336] : memref<512x17xf32, #tpu.memory_space<vmem>>[vector<16xi32>, vector<16xi32>], vector<16xf32>,
      %broadcast_in_dim3A_338 = arith.constant 12 : i32
      %broadcast_in_dim3A_339 = vector.broadcast %broadcast_in_dim3A_338 : i32 to vector<16xi32>
      %gather3A_340 = tpu.vector_load_idx %arg9[%add3A_196, %broadcast_in_dim3A_339] : memref<512x17xf32, #tpu.memory_space<vmem>>[vector<16xi32>, vector<16xi32>], vector<16xf32>,
      %broadcast_in_dim3A_341 = arith.constant 13 : i32
      %broadcast_in_dim3A_342 = vector.broadcast %broadcast_in_dim3A_341 : i32 to vector<16xi32>
      %gather3A_343 = tpu.vector_load_idx %arg9[%add3A_196, %broadcast_in_dim3A_342] : memref<512x17xf32, #tpu.memory_space<vmem>>[vector<16xi32>, vector<16xi32>], vector<16xf32>,
      %broadcast_in_dim3A_344 = arith.constant 14 : i32
      %broadcast_in_dim3A_345 = vector.broadcast %broadcast_in_dim3A_344 : i32 to vector<16xi32>
      %gather3A_346 = tpu.vector_load_idx %arg9[%add3A_196, %broadcast_in_dim3A_345] : memref<512x17xf32, #tpu.memory_space<vmem>>[vector<16xi32>, vector<16xi32>], vector<16xf32>,
      %broadcast_in_dim3A_347 = arith.constant 15 : i32
      %broadcast_in_dim3A_348 = vector.broadcast %broadcast_in_dim3A_347 : i32 to vector<16xi32>
      %gather3A_349 = tpu.vector_load_idx %arg9[%add3A_196, %broadcast_in_dim3A_348] : memref<512x17xf32, #tpu.memory_space<vmem>>[vector<16xi32>, vector<16xi32>], vector<16xf32>,
      %add3A_350 = arith.constant 1.000000e+00 : f32
      %add3A_351 = vector.broadcast %add3A_350 : f32 to vector<16xf32>
      %add3A_352 = arith.addf %gather3A_247, %add3A_351 : vector<16xf32>
      %add3A_353 = arith.constant 1.000000e+00 : f32
      %add3A_354 = vector.broadcast %add3A_353 : f32 to vector<16xf32>
      %add3A_355 = arith.addf %gather3A_291, %add3A_354 : vector<16xf32>
      %mul3A_356 = arith.mulf %add3A_352, %add3A_352 : vector<16xf32>
      %mul3A_357 = arith.mulf %gather3A_258, %gather3A_258 : vector<16xf32>
      %add3A_358 = arith.addf %mul3A_356, %mul3A_357 : vector<16xf32>
      %mul3A_359 = arith.mulf %gather3A_269, %gather3A_269 : vector<16xf32>
      %add3A_360 = arith.addf %add3A_358, %mul3A_359 : vector<16xf32>
      %max3A = arith.constant 1.000000e-24 : f32
      %max3A_361 = vector.broadcast %max3A : f32 to vector<16xf32>
      %max3A_362 = arith.maximumf %add3A_360, %max3A_361 : vector<16xf32>
      %bitcast3A = vector.bitcast %max3A_362 : vector<16xf32> to vector<16xi32>
      %shift_right_arithmetic3A_363 = arith.constant 1 : i32
      %shift_right_arithmetic3A_364 = vector.broadcast %shift_right_arithmetic3A_363 : i32 to vector<16xi32>
      %shift_right_arithmetic3A_365 = arith.shrsi %bitcast3A, %shift_right_arithmetic3A_364 : vector<16xi32>
      %sub3A = arith.constant 1597463007 : i32
      %sub3A_366 = vector.broadcast %sub3A : i32 to vector<16xi32>
      %sub3A_367 = arith.subi %sub3A_366, %shift_right_arithmetic3A_365 : vector<16xi32>
      %bitcast3A_368 = vector.bitcast %sub3A_367 : vector<16xi32> to vector<16xf32>
      %mul3A_369 = arith.constant 5.000000e-01 : f32
      %mul3A_370 = vector.broadcast %mul3A_369 : f32 to vector<16xf32>
      %mul3A_371 = arith.mulf %mul3A_370, %max3A_362 : vector<16xf32>
      %mul3A_372 = arith.mulf %mul3A_371, %bitcast3A_368 : vector<16xf32>
      %mul3A_373 = arith.mulf %mul3A_372, %bitcast3A_368 : vector<16xf32>
      %sub3A_374 = arith.constant 1.500000e+00 : f32
      %sub3A_375 = vector.broadcast %sub3A_374 : f32 to vector<16xf32>
      %sub3A_376 = arith.subf %sub3A_375, %mul3A_373 : vector<16xf32>
      %mul3A_377 = arith.mulf %bitcast3A_368, %sub3A_376 : vector<16xf32>
      %mul3A_378 = arith.constant 5.000000e-01 : f32
      %mul3A_379 = vector.broadcast %mul3A_378 : f32 to vector<16xf32>
      %mul3A_380 = arith.mulf %mul3A_379, %max3A_362 : vector<16xf32>
      %mul3A_381 = arith.mulf %mul3A_380, %mul3A_377 : vector<16xf32>
      %mul3A_382 = arith.mulf %mul3A_381, %mul3A_377 : vector<16xf32>
      %sub3A_383 = arith.constant 1.500000e+00 : f32
      %sub3A_384 = vector.broadcast %sub3A_383 : f32 to vector<16xf32>
      %sub3A_385 = arith.subf %sub3A_384, %mul3A_382 : vector<16xf32>
      %mul3A_386 = arith.mulf %mul3A_377, %sub3A_385 : vector<16xf32>
      %mul3A_387 = arith.constant 5.000000e-01 : f32
      %mul3A_388 = vector.broadcast %mul3A_387 : f32 to vector<16xf32>
      %mul3A_389 = arith.mulf %mul3A_388, %max3A_362 : vector<16xf32>
      %mul3A_390 = arith.mulf %mul3A_389, %mul3A_386 : vector<16xf32>
      %mul3A_391 = arith.mulf %mul3A_390, %mul3A_386 : vector<16xf32>
      %sub3A_392 = arith.constant 1.500000e+00 : f32
      %sub3A_393 = vector.broadcast %sub3A_392 : f32 to vector<16xf32>
      %sub3A_394 = arith.subf %sub3A_393, %mul3A_391 : vector<16xf32>
      %mul3A_395 = arith.mulf %mul3A_386, %sub3A_394 : vector<16xf32>
      %mul3A_396 = arith.mulf %add3A_352, %mul3A_395 : vector<16xf32>
      %mul3A_397 = arith.mulf %gather3A_258, %mul3A_395 : vector<16xf32>
      %mul3A_398 = arith.mulf %gather3A_269, %mul3A_395 : vector<16xf32>
      %mul3A_399 = arith.mulf %mul3A_396, %gather3A_280 : vector<16xf32>
      %mul3A_400 = arith.mulf %mul3A_397, %add3A_355 : vector<16xf32>
      %add3A_401 = arith.addf %mul3A_399, %mul3A_400 : vector<16xf32>
      %mul3A_402 = arith.mulf %mul3A_398, %gather3A_302 : vector<16xf32>
      %add3A_403 = arith.addf %add3A_401, %mul3A_402 : vector<16xf32>
      %mul3A_404 = arith.mulf %add3A_403, %mul3A_396 : vector<16xf32>
      %sub3A_405 = arith.subf %gather3A_280, %mul3A_404 : vector<16xf32>
      %mul3A_406 = arith.mulf %add3A_403, %mul3A_397 : vector<16xf32>
      %sub3A_407 = arith.subf %add3A_355, %mul3A_406 : vector<16xf32>
      %mul3A_408 = arith.mulf %add3A_403, %mul3A_398 : vector<16xf32>
      %sub3A_409 = arith.subf %gather3A_302, %mul3A_408 : vector<16xf32>
      %mul3A_410 = arith.mulf %sub3A_405, %sub3A_405 : vector<16xf32>
      %mul3A_411 = arith.mulf %sub3A_407, %sub3A_407 : vector<16xf32>
      %add3A_412 = arith.addf %mul3A_410, %mul3A_411 : vector<16xf32>
      %mul3A_413 = arith.mulf %sub3A_409, %sub3A_409 : vector<16xf32>
      %add3A_414 = arith.addf %add3A_412, %mul3A_413 : vector<16xf32>
      %max3A_415 = arith.constant 1.000000e-24 : f32
      %max3A_416 = vector.broadcast %max3A_415 : f32 to vector<16xf32>
      %max3A_417 = arith.maximumf %add3A_414, %max3A_416 : vector<16xf32>
      %bitcast3A_418 = vector.bitcast %max3A_417 : vector<16xf32> to vector<16xi32>
      %shift_right_arithmetic3A_419 = arith.constant 1 : i32
      %shift_right_arithmetic3A_420 = vector.broadcast %shift_right_arithmetic3A_419 : i32 to vector<16xi32>
      %shift_right_arithmetic3A_421 = arith.shrsi %bitcast3A_418, %shift_right_arithmetic3A_420 : vector<16xi32>
      %sub3A_422 = arith.constant 1597463007 : i32
      %sub3A_423 = vector.broadcast %sub3A_422 : i32 to vector<16xi32>
      %sub3A_424 = arith.subi %sub3A_423, %shift_right_arithmetic3A_421 : vector<16xi32>
      %bitcast3A_425 = vector.bitcast %sub3A_424 : vector<16xi32> to vector<16xf32>
      %mul3A_426 = arith.constant 5.000000e-01 : f32
      %mul3A_427 = vector.broadcast %mul3A_426 : f32 to vector<16xf32>
      %mul3A_428 = arith.mulf %mul3A_427, %max3A_417 : vector<16xf32>
      %mul3A_429 = arith.mulf %mul3A_428, %bitcast3A_425 : vector<16xf32>
      %mul3A_430 = arith.mulf %mul3A_429, %bitcast3A_425 : vector<16xf32>
      %sub3A_431 = arith.constant 1.500000e+00 : f32
      %sub3A_432 = vector.broadcast %sub3A_431 : f32 to vector<16xf32>
      %sub3A_433 = arith.subf %sub3A_432, %mul3A_430 : vector<16xf32>
      %mul3A_434 = arith.mulf %bitcast3A_425, %sub3A_433 : vector<16xf32>
      %mul3A_435 = arith.constant 5.000000e-01 : f32
      %mul3A_436 = vector.broadcast %mul3A_435 : f32 to vector<16xf32>
      %mul3A_437 = arith.mulf %mul3A_436, %max3A_417 : vector<16xf32>
      %mul3A_438 = arith.mulf %mul3A_437, %mul3A_434 : vector<16xf32>
      %mul3A_439 = arith.mulf %mul3A_438, %mul3A_434 : vector<16xf32>
      %sub3A_440 = arith.constant 1.500000e+00 : f32
      %sub3A_441 = vector.broadcast %sub3A_440 : f32 to vector<16xf32>
      %sub3A_442 = arith.subf %sub3A_441, %mul3A_439 : vector<16xf32>
      %mul3A_443 = arith.mulf %mul3A_434, %sub3A_442 : vector<16xf32>
      %mul3A_444 = arith.constant 5.000000e-01 : f32
      %mul3A_445 = vector.broadcast %mul3A_444 : f32 to vector<16xf32>
      %mul3A_446 = arith.mulf %mul3A_445, %max3A_417 : vector<16xf32>
      %mul3A_447 = arith.mulf %mul3A_446, %mul3A_443 : vector<16xf32>
      %mul3A_448 = arith.mulf %mul3A_447, %mul3A_443 : vector<16xf32>
      %sub3A_449 = arith.constant 1.500000e+00 : f32
      %sub3A_450 = vector.broadcast %sub3A_449 : f32 to vector<16xf32>
      %sub3A_451 = arith.subf %sub3A_450, %mul3A_448 : vector<16xf32>
      %mul3A_452 = arith.mulf %mul3A_443, %sub3A_451 : vector<16xf32>
      %mul3A_453 = arith.mulf %sub3A_405, %mul3A_452 : vector<16xf32>
      %mul3A_454 = arith.mulf %sub3A_407, %mul3A_452 : vector<16xf32>
      %mul3A_455 = arith.mulf %sub3A_409, %mul3A_452 : vector<16xf32>
      %mul3A_456 = arith.mulf %mul3A_397, %mul3A_455 : vector<16xf32>
      %mul3A_457 = arith.mulf %mul3A_398, %mul3A_454 : vector<16xf32>
      %sub3A_458 = arith.subf %mul3A_456, %mul3A_457 : vector<16xf32>
      %mul3A_459 = arith.mulf %mul3A_398, %mul3A_453 : vector<16xf32>
      %mul3A_460 = arith.mulf %mul3A_396, %mul3A_455 : vector<16xf32>
      %sub3A_461 = arith.subf %mul3A_459, %mul3A_460 : vector<16xf32>
      %mul3A_462 = arith.mulf %mul3A_396, %mul3A_454 : vector<16xf32>
      %mul3A_463 = arith.mulf %mul3A_397, %mul3A_453 : vector<16xf32>
      %sub3A_464 = arith.subf %mul3A_462, %mul3A_463 : vector<16xf32>
      %mul3A_465 = arith.mulf %gather3A_304, %mul3A_396 : vector<16xf32>
      %mul3A_466 = arith.mulf %gather3A_307, %mul3A_453 : vector<16xf32>
      %add3A_467 = arith.addf %mul3A_465, %mul3A_466 : vector<16xf32>
      %mul3A_468 = arith.mulf %gather3A_310, %sub3A_458 : vector<16xf32>
      %add3A_469 = arith.addf %add3A_467, %mul3A_468 : vector<16xf32>
      %broadcast_in_dim3A_470 = arith.constant 0 : i32
      %broadcast_in_dim3A_471 = vector.broadcast %broadcast_in_dim3A_470 : i32 to vector<16xi32>
      tpu.vector_store_idx %arg10[%add3A_196, %broadcast_in_dim3A_471], %add3A_469 : memref<512x17xf32, #tpu.memory_space<vmem>>[vector<16xi32>, vector<16xi32>], vector<16xf32>,
      %mul3A_472 = arith.mulf %gather3A_304, %mul3A_397 : vector<16xf32>
      %mul3A_473 = arith.mulf %gather3A_307, %mul3A_454 : vector<16xf32>
      %add3A_474 = arith.addf %mul3A_472, %mul3A_473 : vector<16xf32>
      %mul3A_475 = arith.mulf %gather3A_310, %sub3A_461 : vector<16xf32>
      %add3A_476 = arith.addf %add3A_474, %mul3A_475 : vector<16xf32>
      %broadcast_in_dim3A_477 = arith.constant 1 : i32
      %broadcast_in_dim3A_478 = vector.broadcast %broadcast_in_dim3A_477 : i32 to vector<16xi32>
      tpu.vector_store_idx %arg10[%add3A_196, %broadcast_in_dim3A_478], %add3A_476 : memref<512x17xf32, #tpu.memory_space<vmem>>[vector<16xi32>, vector<16xi32>], vector<16xf32>,
      %mul3A_479 = arith.mulf %gather3A_304, %mul3A_398 : vector<16xf32>
      %mul3A_480 = arith.mulf %gather3A_307, %mul3A_455 : vector<16xf32>
      %add3A_481 = arith.addf %mul3A_479, %mul3A_480 : vector<16xf32>
      %mul3A_482 = arith.mulf %gather3A_310, %sub3A_464 : vector<16xf32>
      %add3A_483 = arith.addf %add3A_481, %mul3A_482 : vector<16xf32>
      %broadcast_in_dim3A_484 = arith.constant 2 : i32
      %broadcast_in_dim3A_485 = vector.broadcast %broadcast_in_dim3A_484 : i32 to vector<16xi32>
      tpu.vector_store_idx %arg10[%add3A_196, %broadcast_in_dim3A_485], %add3A_483 : memref<512x17xf32, #tpu.memory_space<vmem>>[vector<16xi32>, vector<16xi32>], vector<16xf32>,
      %mul3A_486 = arith.mulf %gather3A_304, %gather3A_214 : vector<16xf32>
      %mul3A_487 = arith.mulf %gather3A_307, %gather3A_225 : vector<16xf32>
      %add3A_488 = arith.addf %mul3A_486, %mul3A_487 : vector<16xf32>
      %mul3A_489 = arith.mulf %gather3A_310, %gather3A_236 : vector<16xf32>
      %add3A_490 = arith.addf %add3A_488, %mul3A_489 : vector<16xf32>
      %add3A_491 = arith.addf %add3A_490, %gather3A_313 : vector<16xf32>
      %broadcast_in_dim3A_492 = arith.constant 3 : i32
      %broadcast_in_dim3A_493 = vector.broadcast %broadcast_in_dim3A_492 : i32 to vector<16xi32>
      tpu.vector_store_idx %arg10[%add3A_196, %broadcast_in_dim3A_493], %add3A_491 : memref<512x17xf32, #tpu.memory_space<vmem>>[vector<16xi32>, vector<16xi32>], vector<16xf32>,
      %mul3A_494 = arith.mulf %gather3A_316, %mul3A_396 : vector<16xf32>
      %mul3A_495 = arith.mulf %gather3A_319, %mul3A_453 : vector<16xf32>
      %add3A_496 = arith.addf %mul3A_494, %mul3A_495 : vector<16xf32>
      %mul3A_497 = arith.mulf %gather3A_322, %sub3A_458 : vector<16xf32>
      %add3A_498 = arith.addf %add3A_496, %mul3A_497 : vector<16xf32>
      %broadcast_in_dim3A_499 = arith.constant 4 : i32
      %broadcast_in_dim3A_500 = vector.broadcast %broadcast_in_dim3A_499 : i32 to vector<16xi32>
      tpu.vector_store_idx %arg10[%add3A_196, %broadcast_in_dim3A_500], %add3A_498 : memref<512x17xf32, #tpu.memory_space<vmem>>[vector<16xi32>, vector<16xi32>], vector<16xf32>,
      %mul3A_501 = arith.mulf %gather3A_316, %mul3A_397 : vector<16xf32>
      %mul3A_502 = arith.mulf %gather3A_319, %mul3A_454 : vector<16xf32>
      %add3A_503 = arith.addf %mul3A_501, %mul3A_502 : vector<16xf32>
      %mul3A_504 = arith.mulf %gather3A_322, %sub3A_461 : vector<16xf32>
      %add3A_505 = arith.addf %add3A_503, %mul3A_504 : vector<16xf32>
      %broadcast_in_dim3A_506 = arith.constant 5 : i32
      %broadcast_in_dim3A_507 = vector.broadcast %broadcast_in_dim3A_506 : i32 to vector<16xi32>
      tpu.vector_store_idx %arg10[%add3A_196, %broadcast_in_dim3A_507], %add3A_505 : memref<512x17xf32, #tpu.memory_space<vmem>>[vector<16xi32>, vector<16xi32>], vector<16xf32>,
      %mul3A_508 = arith.mulf %gather3A_316, %mul3A_398 : vector<16xf32>
      %mul3A_509 = arith.mulf %gather3A_319, %mul3A_455 : vector<16xf32>
      %add3A_510 = arith.addf %mul3A_508, %mul3A_509 : vector<16xf32>
      %mul3A_511 = arith.mulf %gather3A_322, %sub3A_464 : vector<16xf32>
      %add3A_512 = arith.addf %add3A_510, %mul3A_511 : vector<16xf32>
      %broadcast_in_dim3A_513 = arith.constant 6 : i32
      %broadcast_in_dim3A_514 = vector.broadcast %broadcast_in_dim3A_513 : i32 to vector<16xi32>
      tpu.vector_store_idx %arg10[%add3A_196, %broadcast_in_dim3A_514], %add3A_512 : memref<512x17xf32, #tpu.memory_space<vmem>>[vector<16xi32>, vector<16xi32>], vector<16xf32>,
      %mul3A_515 = arith.mulf %gather3A_316, %gather3A_214 : vector<16xf32>
      %mul3A_516 = arith.mulf %gather3A_319, %gather3A_225 : vector<16xf32>
      %add3A_517 = arith.addf %mul3A_515, %mul3A_516 : vector<16xf32>
      %mul3A_518 = arith.mulf %gather3A_322, %gather3A_236 : vector<16xf32>
      %add3A_519 = arith.addf %add3A_517, %mul3A_518 : vector<16xf32>
      %add3A_520 = arith.addf %add3A_519, %gather3A_325 : vector<16xf32>
      %broadcast_in_dim3A_521 = arith.constant 7 : i32
      %broadcast_in_dim3A_522 = vector.broadcast %broadcast_in_dim3A_521 : i32 to vector<16xi32>
      tpu.vector_store_idx %arg10[%add3A_196, %broadcast_in_dim3A_522], %add3A_520 : memref<512x17xf32, #tpu.memory_space<vmem>>[vector<16xi32>, vector<16xi32>], vector<16xf32>,
      %mul3A_523 = arith.mulf %gather3A_328, %mul3A_396 : vector<16xf32>
      %mul3A_524 = arith.mulf %gather3A_331, %mul3A_453 : vector<16xf32>
      %add3A_525 = arith.addf %mul3A_523, %mul3A_524 : vector<16xf32>
      %mul3A_526 = arith.mulf %gather3A_334, %sub3A_458 : vector<16xf32>
      %add3A_527 = arith.addf %add3A_525, %mul3A_526 : vector<16xf32>
      %broadcast_in_dim3A_528 = arith.constant 8 : i32
      %broadcast_in_dim3A_529 = vector.broadcast %broadcast_in_dim3A_528 : i32 to vector<16xi32>
      tpu.vector_store_idx %arg10[%add3A_196, %broadcast_in_dim3A_529], %add3A_527 : memref<512x17xf32, #tpu.memory_space<vmem>>[vector<16xi32>, vector<16xi32>], vector<16xf32>,
      %mul3A_530 = arith.mulf %gather3A_328, %mul3A_397 : vector<16xf32>
      %mul3A_531 = arith.mulf %gather3A_331, %mul3A_454 : vector<16xf32>
      %add3A_532 = arith.addf %mul3A_530, %mul3A_531 : vector<16xf32>
      %mul3A_533 = arith.mulf %gather3A_334, %sub3A_461 : vector<16xf32>
      %add3A_534 = arith.addf %add3A_532, %mul3A_533 : vector<16xf32>
      %broadcast_in_dim3A_535 = arith.constant 9 : i32
      %broadcast_in_dim3A_536 = vector.broadcast %broadcast_in_dim3A_535 : i32 to vector<16xi32>
      tpu.vector_store_idx %arg10[%add3A_196, %broadcast_in_dim3A_536], %add3A_534 : memref<512x17xf32, #tpu.memory_space<vmem>>[vector<16xi32>, vector<16xi32>], vector<16xf32>,
      %mul3A_537 = arith.mulf %gather3A_328, %mul3A_398 : vector<16xf32>
      %mul3A_538 = arith.mulf %gather3A_331, %mul3A_455 : vector<16xf32>
      %add3A_539 = arith.addf %mul3A_537, %mul3A_538 : vector<16xf32>
      %mul3A_540 = arith.mulf %gather3A_334, %sub3A_464 : vector<16xf32>
      %add3A_541 = arith.addf %add3A_539, %mul3A_540 : vector<16xf32>
      %broadcast_in_dim3A_542 = arith.constant 10 : i32
      %broadcast_in_dim3A_543 = vector.broadcast %broadcast_in_dim3A_542 : i32 to vector<16xi32>
      tpu.vector_store_idx %arg10[%add3A_196, %broadcast_in_dim3A_543], %add3A_541 : memref<512x17xf32, #tpu.memory_space<vmem>>[vector<16xi32>, vector<16xi32>], vector<16xf32>,
      %mul3A_544 = arith.mulf %gather3A_328, %gather3A_214 : vector<16xf32>
      %mul3A_545 = arith.mulf %gather3A_331, %gather3A_225 : vector<16xf32>
      %add3A_546 = arith.addf %mul3A_544, %mul3A_545 : vector<16xf32>
      %mul3A_547 = arith.mulf %gather3A_334, %gather3A_236 : vector<16xf32>
      %add3A_548 = arith.addf %add3A_546, %mul3A_547 : vector<16xf32>
      %add3A_549 = arith.addf %add3A_548, %gather3A_337 : vector<16xf32>
      %broadcast_in_dim3A_550 = arith.constant 11 : i32
      %broadcast_in_dim3A_551 = vector.broadcast %broadcast_in_dim3A_550 : i32 to vector<16xi32>
      tpu.vector_store_idx %arg10[%add3A_196, %broadcast_in_dim3A_551], %add3A_549 : memref<512x17xf32, #tpu.memory_space<vmem>>[vector<16xi32>, vector<16xi32>], vector<16xf32>,
      %mul3A_552 = arith.mulf %gather3A_340, %mul3A_396 : vector<16xf32>
      %mul3A_553 = arith.mulf %gather3A_343, %mul3A_453 : vector<16xf32>
      %add3A_554 = arith.addf %mul3A_552, %mul3A_553 : vector<16xf32>
      %mul3A_555 = arith.mulf %gather3A_346, %sub3A_458 : vector<16xf32>
      %add3A_556 = arith.addf %add3A_554, %mul3A_555 : vector<16xf32>
      %broadcast_in_dim3A_557 = arith.constant 12 : i32
      %broadcast_in_dim3A_558 = vector.broadcast %broadcast_in_dim3A_557 : i32 to vector<16xi32>
      tpu.vector_store_idx %arg10[%add3A_196, %broadcast_in_dim3A_558], %add3A_556 : memref<512x17xf32, #tpu.memory_space<vmem>>[vector<16xi32>, vector<16xi32>], vector<16xf32>,
      %mul3A_559 = arith.mulf %gather3A_340, %mul3A_397 : vector<16xf32>
      %mul3A_560 = arith.mulf %gather3A_343, %mul3A_454 : vector<16xf32>
      %add3A_561 = arith.addf %mul3A_559, %mul3A_560 : vector<16xf32>
      %mul3A_562 = arith.mulf %gather3A_346, %sub3A_461 : vector<16xf32>
      %add3A_563 = arith.addf %add3A_561, %mul3A_562 : vector<16xf32>
      %broadcast_in_dim3A_564 = arith.constant 13 : i32
      %broadcast_in_dim3A_565 = vector.broadcast %broadcast_in_dim3A_564 : i32 to vector<16xi32>
      tpu.vector_store_idx %arg10[%add3A_196, %broadcast_in_dim3A_565], %add3A_563 : memref<512x17xf32, #tpu.memory_space<vmem>>[vector<16xi32>, vector<16xi32>], vector<16xf32>,
      %mul3A_566 = arith.mulf %gather3A_340, %mul3A_398 : vector<16xf32>
      %mul3A_567 = arith.mulf %gather3A_343, %mul3A_455 : vector<16xf32>
      %add3A_568 = arith.addf %mul3A_566, %mul3A_567 : vector<16xf32>
      %mul3A_569 = arith.mulf %gather3A_346, %sub3A_464 : vector<16xf32>
      %add3A_570 = arith.addf %add3A_568, %mul3A_569 : vector<16xf32>
      %broadcast_in_dim3A_571 = arith.constant 14 : i32
      %broadcast_in_dim3A_572 = vector.broadcast %broadcast_in_dim3A_571 : i32 to vector<16xi32>
      tpu.vector_store_idx %arg10[%add3A_196, %broadcast_in_dim3A_572], %add3A_570 : memref<512x17xf32, #tpu.memory_space<vmem>>[vector<16xi32>, vector<16xi32>], vector<16xf32>,
      %mul3A_573 = arith.mulf %gather3A_340, %gather3A_214 : vector<16xf32>
      %mul3A_574 = arith.mulf %gather3A_343, %gather3A_225 : vector<16xf32>
      %add3A_575 = arith.addf %mul3A_573, %mul3A_574 : vector<16xf32>
      %mul3A_576 = arith.mulf %gather3A_346, %gather3A_236 : vector<16xf32>
      %add3A_577 = arith.addf %add3A_575, %mul3A_576 : vector<16xf32>
      %add3A_578 = arith.addf %add3A_577, %gather3A_349 : vector<16xf32>
      %broadcast_in_dim3A_579 = arith.constant 15 : i32
      %broadcast_in_dim3A_580 = vector.broadcast %broadcast_in_dim3A_579 : i32 to vector<16xi32>
      tpu.vector_store_idx %arg10[%add3A_196, %broadcast_in_dim3A_580], %add3A_578 : memref<512x17xf32, #tpu.memory_space<vmem>>[vector<16xi32>, vector<16xi32>], vector<16xf32>,
    }
    %scan3A_191 = arith.constant 32 : i32
    "tpu.region"() ({
      %run_scoped3A = tpu.sem_alloc : memref<!tpu.dma_semaphore, #tpu.memory_space<semaphore_mem>>
      %dma_start3A_192 = arith.constant 0 : i32
      %dma_start3A_193 = arith.constant 0 : i32
      %dma_start3A_194 = tpu.memref_slice %arg10[%dma_start3A_192, %dma_start3A_193] : memref<512x17xf32, #tpu.memory_space<vmem>> -> memref<512x16xf32, #tpu.memory_space<vmem>>
      %dma_start3A_195 = arith.constant 0 : i32
      %dma_start3A_196 = tpu.memref_slice %arg5[%mul3A_2, %dma_start3A_195] : memref<16384x16xf32, #tpu.memory_space<hbm>> -> memref<512x16xf32, #tpu.memory_space<hbm>>
      %dma_start3A_197 = arith.constant 0 : i32
      %dma_start3A_198 = tpu.memref_slice %arg5[%mul3A_2, %dma_start3A_197] : memref<16384x16xf32, #tpu.memory_space<hbm>> -> memref<512x16xf32, #tpu.memory_space<hbm>>
      %dma_start3A_199 = arith.constant 0 : i32
      %dma_start3A_200 = arith.constant 0 : i32
      %dma_start3A_201 = tpu.memref_slice %arg10[%dma_start3A_199, %dma_start3A_200] : memref<512x17xf32, #tpu.memory_space<vmem>> -> memref<512x16xf32, #tpu.memory_space<vmem>>
      tpu.enqueue_dma source(%dma_start3A_201 : memref<512x16xf32, #tpu.memory_space<vmem>>) target(%dma_start3A_198 : memref<512x16xf32, #tpu.memory_space<hbm>>) target_semaphore(%run_scoped3A : memref<!tpu.dma_semaphore, #tpu.memory_space<semaphore_mem>>)
      %dma_wait3A_202 = arith.constant 0 : i32
      %dma_wait3A_203 = arith.constant 0 : i32
      %dma_wait3A_204 = tpu.memref_slice %arg10[%dma_wait3A_202, %dma_wait3A_203] : memref<512x17xf32, #tpu.memory_space<vmem>> -> memref<512x16xf32, #tpu.memory_space<vmem>>
      %dma_wait3A_205 = arith.constant 0 : i32
      %dma_wait3A_206 = tpu.memref_slice %arg5[%mul3A_2, %dma_wait3A_205] : memref<16384x16xf32, #tpu.memory_space<hbm>> -> memref<512x16xf32, #tpu.memory_space<hbm>>
      %dma_wait3A_207 = arith.constant 0 : i32
      %dma_wait3A_208 = tpu.memref_slice %arg5[%mul3A_2, %dma_wait3A_207] : memref<16384x16xf32, #tpu.memory_space<hbm>> -> memref<512x16xf32, #tpu.memory_space<hbm>>
      %dma_wait3A_209 = arith.constant 0 : i32
      %dma_wait3A_210 = arith.constant 0 : i32
      %dma_wait3A_211 = tpu.memref_slice %arg10[%dma_wait3A_209, %dma_wait3A_210] : memref<512x17xf32, #tpu.memory_space<vmem>> -> memref<512x16xf32, #tpu.memory_space<vmem>>
      tpu.wait_dma2 semaphore(%run_scoped3A : memref<!tpu.dma_semaphore, #tpu.memory_space<semaphore_mem>>) src(%dma_wait3A_211 : memref<512x16xf32, #tpu.memory_space<vmem>>) dst(%dma_wait3A_208 : memref<512x16xf32, #tpu.memory_space<hbm>>)
      tpu.yield
    }) : () -> ()
    return
  }
}

</mosaic_0001>

<sc_bundles>
// kernel: kernel.3.cloned.1.call-start
scs
__scs_entry_jumppad:
0x0: {  	(pc) =	sbr.rel $0x88, $3  }
0x1: {  	(tag) =	ssettag $0x0;
	lr =	simm.s32 $0x1  }
0x2: {  	[smem:$0x3F9E] =	sst lr;
	_ =	strace $0xD0000000  }
0x3: {  	_ = 	snop  }
0x4: {  	_ = 	snop  }
0x5: {  	_ = 	snop  }
0x6: {  	_ = 	snop  }
0x7: {  	_ = 	snop  }
__scs_overlays_trampoline_lowered:
0x8: {  	[smem:$0x3FAD] =	sst s0  }
0x9: {  	[smem:$0x3FAE] =	sst s1  }
0xa: {  	[smem:$0x3FAF] =	sst s2  }
0xb: {  	[smem:$0x3FB0] =	sst s3  }
0xc: {  	[smem:$0x3FB1] =	sst s4  }
0xd: {  	[smem:$0x3FB2] =	sst s5  }
0xe: {  	[smem:$0x3FB3] =	sst s6  }
0xf: {  	[smem:$0x3FB4] =	sst s7  }
0x10: {  	[smem:$0x3FB5] =	sst s8  }
0x11: {  	[smem:$0x3FB6] =	sst s9;
	s0 =	simm.s32 @!p0 $0x0  }
0x12: {  	s1 =	sld [smem:$0x3F9C];
	s0 =	simm.s32 @p0 $0x1  }
0x13: {  	[smem:$0x3FB7] =	sst s0;
	s0 =	simm.s32 @!p1 $0x0  }
0x14: {  	s2 =	sld [smem:$0x3F9B];
	s0 =	simm.s32 @p1 $0x1  }
0x15: {  	[smem:$0x3FB8] =	sst s0;
	s0 =	simm.s32 @!p2 $0x0  }
0x16: {  	s3 =	sld [smem:$0x3FDB];
	s0 =	simm.s32 @p2 $0x1  }
0x17: {  	s4 =	simm.s32 $0x1BF5;
	[smem:$0x3FBA] =	sst s0  }
0x18: {  	s0 =	sld [smem:$0x3F9D];
	_ =	swait.ge [sflag:s4], $0x0  }
0x19: {  	s7 =	sld [smem:$0x3F9E]  }
0x1a: {  	s8 =	sadd.s32 $0xFFFFE003, lr  }
0x1b: {  	s9 =	sadd.s32 $0xFFFFFEF7, lr;
	s5 =	simm.s32 $0xFFFFFFFF;
	p2 =	slt.u32 s8, $0xFFFFF086  }
0x1c: {  	p1 =	slt.u32 s9, $0xF7A;
	s5 =	simm.s32 @!p2 $0x0  }
0x1d: {  	s5 =	simm.s32 @p1 $0x1;
	p0 =	seq.s32 s7, s2  }
0x1e: {  	s7 =	smul.u32 @!p0 $0xF7A, s2;
	p2 =	seq.s32 @!p0 s5, $0x0  }
0x1f: {  	s9 =	smul.u32 $0xF7A, s1;
	s8 =	simm.s32 @!p0 $0x1BF5;
	p2 =	por !p2, p0  }
0x20: {  	[sflag:s8] =	ssyncset.s32 @!p0 $0xFFFFF086;
	s6 =	sadd.s32 @!p0 s3, s7;
	s7 =	simm.s32 @!p0 $0x108  }
0x21: {  	s3 =	sadd.s32 s3, s9;
	s6 =	sadd.s32 @!p0 $0x88, s6;
	s7 =	simm.s32 @p2 $0x1082  }
0x22: {  	[simem:s7], [sflag:s8] =	dma.local @!p0 [hbm:s6], $0xF7A  }
0x23: {  	s9 =	sor.u32 $0xD0000000, s2;
	s6 =	simm.s32 $0x108;
	_ =	swait.ge @!p0 [sflag:s8], $0x0  }
0x24: {  	s3 =	sadd.s32 $0x88, s3;
	s6 =	simm.s32 @!p1 $0x1082;
	[sflag:s4] =	ssyncset.s32 $0xFFFFF086  }
0x25: {  	[simem:s6], [sflag:s4] =	dma.local [hbm:s3], $0xF7A  }
0x26: {  	[smem:$0x3F9E] =	sst s1;
	(tag) =	ssettag s2;
	_ =	strace s9  }
0x27: {  	s1 =	sld [smem:$0x3FAE]  }
0x28: {  	s2 =	sld [smem:$0x3FAF]  }
0x29: {  	s4 =	sld [smem:$0x3FB1]  }
0x2a: {  	p0 =	seq.s32 s5, $0x0;
	s5 =	sld [smem:$0x3FB2]  }
0x2b: {  	s6 =	sld [smem:$0x3FB3]  }
0x2c: {  	s7 =	sld [smem:$0x3FB4]  }
0x2d: {  	s3 =	simm.s32 $0x108;
	s8 =	sld [smem:$0x3FB5]  }
0x2e: {  	s3 =	simm.s32 @!p0 $0x1082;
	s9 =	sld [smem:$0x3FB6]  }
0x2f: {  	lr =	sadd.s32 s0, s3;
	s0 =	sld [smem:$0x3FAD]  }
0x30: {  	s3 =	sld [smem:$0x3FB0]  }
0x31: {  	[smem:$0x3FB9] =	sst s10  }
0x32: {  	s10 =	sld [smem:$0x3FB7];
	_ =	sdelay $0x3  }
0x33: {  	p0 =	seq.s32 s10, $0x1;
	s10 =	sld [smem:$0x3FB9];
	_ =	sdelay $0x3  }
0x34: {  	[smem:$0x3FB9] =	sst s10  }
0x35: {  	s10 =	sld [smem:$0x3FB8];
	_ =	sdelay $0x3  }
0x36: {  	p1 =	seq.s32 s10, $0x1;
	s10 =	sld [smem:$0x3FB9];
	_ =	sdelay $0x3  }
0x37: {  	[smem:$0x3FB9] =	sst s10  }
0x38: {  	s10 =	sld [smem:$0x3FBA]  }
0x39: {  	_ = 	snop;
	(pc) =	sbr.ind lr, $3  }
0x3a: {  	_ = 	snop  }
0x3b: {  	_ = 	snop  }
0x3c: {  	p2 =	seq.s32 s10, $0x1;
	s10 =	sld [smem:$0x3FB9]  }
0x3d: {  	_ =	shalt  }
0x3e: {  	_ =	shalt  }
0x3f: {  	_ =	shalt  }
0x40: {  	_ =	shalt  }
0x41: {  	_ =	shalt  }
0x42: {  	_ =	shalt  }
0x43: {  	_ =	shalt  }
0x44: {  	_ =	shalt  }
0x45: {  	_ =	shalt  }
0x46: {  	_ =	shalt  }
0x47: {  	_ =	shalt  }
0x48: {  	_ =	shalt  }
0x49: {  	_ =	shalt  }
0x4a: {  	_ =	shalt  }
0x4b: {  	_ =	shalt  }
0x4c: {  	_ =	shalt  }
0x4d: {  	_ =	shalt  }
0x4e: {  	_ =	shalt  }
0x4f: {  	_ =	shalt  }
0x50: {  	_ =	shalt  }
0x51: {  	_ =	shalt  }
0x52: {  	_ =	shalt  }
0x53: {  	_ =	shalt  }
0x54: {  	_ =	shalt  }
0x55: {  	_ =	shalt  }
0x56: {  	_ =	shalt  }
0x57: {  	_ =	shalt  }
0x58: {  	_ =	shalt  }
0x59: {  	_ =	shalt  }
0x5a: {  	_ =	shalt  }
0x5b: {  	_ =	shalt  }
0x5c: {  	_ =	shalt  }
0x5d: {  	_ =	shalt  }
0x5e: {  	_ =	shalt  }
0x5f: {  	_ =	shalt  }
0x60: {  	_ =	shalt  }
0x61: {  	_ =	shalt  }
0x62: {  	_ =	shalt  }
0x63: {  	_ =	shalt  }
0x64: {  	_ =	shalt  }
0x65: {  	_ =	shalt  }
0x66: {  	_ =	shalt  }
0x67: {  	_ =	shalt  }
0x68: {  	_ =	shalt  }
0x69: {  	_ =	shalt  }
0x6a: {  	_ =	shalt  }
0x6b: {  	_ =	shalt  }
0x6c: {  	_ =	shalt  }
0x6d: {  	_ =	shalt  }
0x6e: {  	_ =	shalt  }
0x6f: {  	_ =	shalt  }
0x70: {  	_ =	shalt  }
0x71: {  	_ =	shalt  }
0x72: {  	_ =	shalt  }
0x73: {  	_ =	shalt  }
0x74: {  	_ =	shalt  }
0x75: {  	_ =	shalt  }
0x76: {  	_ =	shalt  }
0x77: {  	_ =	shalt  }
0x78: {  	_ =	shalt  }
0x79: {  	_ =	shalt  }
0x7a: {  	_ =	shalt  }
0x7b: {  	_ =	shalt  }
0x7c: {  	_ =	shalt  }
0x7d: {  	_ =	shalt  }
0x7e: {  	_ =	shalt  }
0x7f: {  	_ =	shalt  }
0x80: {  	_ =	shalt  }
0x81: {  	_ =	shalt  }
0x82: {  	_ =	shalt  }
0x83: {  	_ =	shalt  }
0x84: {  	_ =	shalt  }
0x85: {  	_ =	shalt  }
0x86: {  	_ =	shalt  }
0x87: {  	_ =	shalt  }
.Lfunc_end0:
.L_simem_size_0:
called_computation_lowered:
.L_overlay_start_0:
0x88: {  	s2 =	sld [smem:$0x3FD9]  }
0x89: {  	s3 =	sld [smem:$0x3FFE];
	_ =	sdelay $0x1  }
0x8a: {  	s1 =	srdreg.scid  }
0x8b: {  	s0 =	sand.u32 $0x1, s1  }
0x8c: {  	s17 =	sshll.u32 s0, $0xA;
	s2 =	sadd.s32 s3, s2  }
0x8d: {  	s2 =	sadd.s32 s2, s17  }
0x8e: {  	[smem:$0x3FC5] =	sst s2  }
0x8f: {  	_ = 	snop  }
0x90: {  	s2 =	sld [smem:$0x3FC8]  }
0x91: {  	s18 =	sld [smem:$0x3FD0];
	(tm) =	ssettm $0x1  }
0x92: {  	s4 =	sld [smem:$0x3FFB];
	_ =	sdelay $0x3  }
0x93: {  	_ =	strace s4  }
0x94: {  	s4 =	sld [smem:$0x3FFC];
	_ =	sdelay $0x3  }
0x95: {  	_ =	strace s4  }
0x96: {  	s4 =	sld [smem:$0x3FFD];
	_ =	sdelay $0x3  }
0x97: {  	_ =	strace s4  }
0x98: {  	_ =	strace $0x8FFFFFFF  }
0x99: {  	s19 =	sld [smem:$0x3FDB];
	_ =	sdelay $0x1  }
0x9a: {  	s5 =	simm.s32 $_scs_section_size  }
0x9b: {  	s6 =	simm.s32 $_size__tile_overlayer_lowered;
	s7 =	simm.s32 $_tile_overlayer_lowered  }
0x9c: {  	s22 =	simm.s32 $0x1BFF;
	s21 =	sshll.u32 s7, $0x1;
	s4 =	sadd.s32 s5, s19  }
0x9d: {  	s8 =	simm.s32 $0x0;
	s20 =	sshll.u32 s6, $0x1;
	s6 =	sadd.s32 s21, s4  }
0x9e: {  	[timem:s8], [sflag:s22] =	dma.local [hbm:s6], s20  }
0x9f: {  	_ =	swait.ge [sflag:s22], s20  }
0xa0: {  	s5 =	ssub.s32 $0x0, s20;
	[sflag:s22] =	ssyncset.done $0x0  }
0xa1: {  	[sflag:s22] =	ssyncadd.s32 s5;
	_ =	sdelay $0x1  }
0xa2: {  	s23 =	simm.s32 $0x1B8B  }
0xa3: {  	_ =	swait.ge [sflag:s23], $0x1  }
0xa4: {  	[sflag:s23] =	ssyncset.done $0x0  }
0xa5: {  	s25 =	simm.s32 $0x1B8E;
	s24 =	sld [smem:$0x3FFE];
	[sflag:s23] =	ssyncadd.s32 $0xFFFFFFFF  }
0xa6: {  	s26 =	simm.s32 $execute0_lowered;
	[smem:$0x3FD2] =	sst s25  }
0xa7: {  	s6 =	sshll.u32 s26, $0x1;
	_ =	strace $0x80000046;
	[dreg:$0x1] =	wrdreg $0xFFFFFFFF  }
0xa8: {  	s28 =	simm.s32 $_size_execute0_lowered;
	s4 =	sadd.s32 s4, s6;
	[dreg:$0x0] =	wrdreg $0x0  }
0xa9: {  	s6 =	sshll.u32 s28, $0x1;
	[dreg:$0x2] =	wrdreg s4  }
0xaa: {  	[dreg:$0x3] =	wrdreg s6  }
0xab: {  	[dreg:$0x4] =	wrdreg $0xC0  }
0xac: {  	_ =	task [dreg:s8], $0x5FFFF  }
0xad: {  	[dreg:$0x1] =	wrdreg $0xFFFFFFFF  }
0xae: {  	[dreg:$0x0] =	wrdreg $0x60  }
0xaf: {  	[dreg:$0x2] =	wrdreg s18  }
0xb0: {  	[dreg:$0x3] =	wrdreg s2  }
0xb1: {  	[dreg:$0x4] =	wrdreg s24  }
0xb2: {  	[dreg:$0x5] =	wrdreg $0x9  }
0xb3: {  	_ =	task.clear_ibuf [dreg:s8], $0x6FFFF;
	_ =	strace $0x90000046  }
0xb4: {  	s29 =	simm.s32 $0x9;
	_ =	strace $0x80000048  }
0xb5: {  	_ =	swait.ge [sflag:s29], $0x1  }
0xb6: {  	[sflag:s29] =	ssyncadd.s32 $0xFFFFFFFF  }
0xb7: {  	_ =	strace $0x90000048  }
0xb8: {  	_ =	sfence  }
0xb9: {  	s30 =	sld [smem:$0x0];
	_ =	sdelay $0x2  }
0xba: {  	s31 =	sshll.u32 s1, $0xD;
	s1 =	sshrl.u32 s1, $0x2  }
0xbb: {  	s3 =	sand.u32 $0x4000, s31;
	s1 =	sadd.s32 s1, s30  }
0xbc: {  	s0 =	sor.u32 s3, s0;
	s1 =	sshll.u32 s1, $0x11  }
0xbd: {  	s0 =	sor.u32 s1, s0  }
0xbe: {  	s0 =	sadd.s32 $0x8F2B, s0  }
0xbf: {  	[sflag:s0] =	ssyncadd.remote.s32 $0x1  }
0xc0: {  	_ =	sfence.sel $0xFFFF  }
0xc1: {  	[dreg:$0x0] =	wrdreg $0xFFFFFFFF;
	(pc) =	sbr.abs _section_cstart, $3  }
0xc2: {  	[dreg:$0x1] =	wrdreg $0xFFFFFFFF  }
0xc3: {  	_ =	task.clear_ibuf [dreg:s8], $0x2FFFF;
	_ =	strace $0x9FFFFFFF  }
0xc4: {  	(tm) =	ssettm $0x7FFFFFFF  }
0xc5: {  	_ =	shalt  }
tec
execute0_lowered:
.L_overlay_start_1:
0x0: {  	(tag) =	ssettag $0x1  }
0x1: {  	s0 =	rddreg [dreg:$0x0]  }
0x2: {  	s1 =	rddreg [dreg:$0x1]  }
0x3: {  	s4 =	rddreg [dreg:$0x2];
	s3 =	srdreg.scid;
	s2 =	simm.s32 $0x0  }
0x4: {  	s5 =	stileid.u32;
	s10 =	simm.s32 $0x80;
	s11 =	simm.s32 $0x600  }
0x5: {  	s14 =	simm.s32 $0x300;
	s15 =	simm.s32 $0x1600;
	s16 =	simm.s32 $0x380  }
0x6: {  	s17 =	simm.s32 $0x1E00;
	s18 =	simm.s32 $0x400;
	s19 =	simm.s32 $0x2600  }
0x7: {  	s20 =	simm.s32 $0x480;
	s21 =	simm.s32 $0x2E00;
	s22 =	simm.s32 $0x500  }
0x8: {  	s23 =	simm.s32 $0x3600;
	s24 =	simm.s32 $0x580;
	s28 =	simm.s32 $0x2  }
0x9: {  	s29 =	simm.s32 $0x4600;
	s30 =	simm.s32 $0x7600;
	s31 =	simm.s32 $0x0  }
0xa: {  	s3 =	sand.u32 $0x1, s3;
	[smem:$0x7FF] =	sst s2;
	s5 =	sshll.u32 s5, $0xA  }
0xb: {  	s6 =	sshll.u32 s3, $0x9;
	_ =	strace $0x80000047;
	s25 =	ssub.s32 $0x2, s3  }
0xc: {  	s3 =	sadd.s32 $0x187000, s4;
	s5 =	sor.u32 s6, s5;
	s8 =	sshrl.u32 s25, $0x1  }
0xd: {  	s7 =	sshll.u32 s5, $0x1;
	s8 =	ssub.s32 s25, s8;
	s26 =	sshrl.u32 s5, $0x3  }
0xe: {  	s25 =	simm.s32 $0x3E00;
	s9 =	sadd.s32 s7, s4;
	s4 =	sadd.s32 s1, s26  }
0xf: {  	v0 =	vlaneseq.u32;
	s5 =	sadd.s32 s0, s7;
	s7 =	smax.u32 s8, $0x1;
	s8 =	simm.s32 $0x3  }
0x10: {  	v1 =	vor.u32 $0xFFFFFFF8, v0;
	s26 =	simm.s32 $0x1;
	s6 =	sadd.s32 $0x600, s9;
	s9 =	simm.s32 $0x200  }
.LBB2_1:
0x11: {  	[tilespmem:s2], [sflag:$0x3] =	stream.linear.gather [hbm4b:s4+s2], $0x200, $0x38;
	[tilespmem:$0xA600] =	vst v63  }
0x12: {  	_ =	swait.ge [sflag:s8], $0x200  }
0x13: {  	[sflag:s8] =	ssyncset.done $0x0  }
0x14: {  	s0 =	sadd.s32 $0x0, s5;
	[sflag:s8] =	ssyncadd.s32 $0xFFFFFE00  }
0x15: {  	[tilespmem:s29], [sflag:$0x2] =	stream.linear.gather [hbm4b:s0+s2], $0x10, $0x38;
	[tilespmem:$0xA600] =	vst v63  }
0x16: {  	s1 =	simm.s32 $0x4600;
	s0 =	simm.s32 $0x2  }
.LBB2_2:
0x17: {  	p0 =	sne.s32 s0, $0x3FE  }
.Ltmp0:
0x18: {  	_ = 	snop;
	(pc) =	sbr.rel @p0 .LBB2_2-.Ltmp0, $4  }
0x19: {  	_ = 	snop  }
0x1a: {  	s13 =	sadd.s32 s0, s5;
	s1 =	sadd.s32 $0x18, s1  }
0x1b: {  	s12 =	simm.s32 $0x0;
	s0 =	sadd.s32 $0x2, s0  }
0x1c: {  	[tilespmem:s1], [sflag:$0x2] =	stream.linear.gather [hbm4b:s13+s12], $0x10, $0x38;
	[tilespmem:$0xA600] =	vst v63  }
0x1d: {  	v2 =	vor.u32 s12, v0  }
0x1e: {  	v3 =	vand.u32 v1, v2;
	_ =	sdelay $0x4  }
0x1f: {  	v4 =	vld.idx.msk [tilespmem:v3+s2+$0x0], $0xffff;
	_ =	sdelay $0x2  }
0x20: {  	v3 =	vshll.u32 v2, $0x1;
	_ =	sdelay $0x1  }
0x21: {  	s0 =	simm.s32 $0x10;
	v5 =	vmul.u32 $0x9, v4  }
0x22: {  	v2 =	vor.u32 s0, v0;
	s0 =	simm.s32 $0x20;
	v4 =	vor.u32 $0x1, v3  }
.LBB2_4:
0x23: {  	p0 =	sne.s32 s0, $0x1F0;
	v6 =	vand.u32 v1, v2;
	v5 =	vshra.s32 v5, $0x4  }
0x24: {  	vm0 =	vlt.s32 v5, $0xDBB8;
	[tilespmem:v3+s9+$0x0] =	vst.idx.msk $0xffff, v5  }
0x25: {  	v3 =	vnsel vm0, $0xDBB8, v5  }
0x26: {  	v3 =	vadd.s32 $0x1, v3  }
0x27: {  	[tilespmem:v4+s9+$0x0] =	vst.idx.msk $0xffff, v3  }
0x28: {  	v4 =	vld.idx.msk [tilespmem:v6+s2+$0x0], $0xffff;
	_ =	sdelay $0x2  }
.Ltmp1:
0x29: {  	(pc) =	sbr.rel @p0 .LBB2_4-.Ltmp1, $3  }
0x2a: {  	v3 =	vshll.u32 v2, $0x1;
	_ =	sdelay $0x1  }
0x2b: {  	v5 =	vmul.u32 $0x9, v4  }
0x2c: {  	v2 =	vor.u32 s0, v0;
	s0 =	sadd.s32 $0x10, s0;
	v4 =	vor.u32 $0x1, v3  }
0x2d: {  	_ = 	snop  }
0x2e: {  	v6 =	vand.u32 v1, v2;
	v5 =	vshra.s32 v5, $0x4  }
0x2f: {  	vm0 =	vlt.s32 v5, $0xDBB8  }
0x30: {  	v7 =	vnsel vm0, $0xDBB8, v5  }
0x31: {  	[tilespmem:v3+s9+$0x0] =	vst.idx.msk $0xffff, v5;
	v3 =	vadd.s32 $0x1, v7  }
0x32: {  	[tilespmem:v4+s9+$0x0] =	vst.idx.msk $0xffff, v3  }
0x33: {  	v3 =	vld.idx.msk [tilespmem:v6+s2+$0x0], $0xffff;
	_ =	sdelay $0x4  }
0x34: {  	v2 =	vshll.u32 v2, $0x1;
	v3 =	vmul.u32 $0x9, v3  }
0x35: {  	v4 =	vor.u32 $0x1, v2  }
0x36: {  	v3 =	vshra.s32 v3, $0x4  }
0x37: {  	vm15 =	vlt.s32 v3, $0xDBB8  }
0x38: {  	v5 =	vnsel vm15, $0xDBB8, v3  }
0x39: {  	[tilespmem:v2+s9+$0x0] =	vst.idx.msk $0xffff, v3;
	v2 =	vadd.s32 $0x1, v5  }
0x3a: {  	[tilespmem:v4+s9+$0x0] =	vst.idx.msk $0xffff, v2  }
0x3b: {  	[tilespmem:s11], [sflag:$0x1] =	stream.indirect.gather [hbm4b:s3+s10], $0x10, s9, s10, $0xb8;
	[tilespmem:$0xA600] =	vst v63  }
0x3c: {  	s0 =	simm.s32 $0x280;
	s1 =	simm.s32 $0xE00  }
0x3d: {  	[tilespmem:s1], [sflag:$0x1] =	stream.indirect.gather [hbm4b:s3+s10], $0x10, s0, s10, $0xb8;
	[tilespmem:$0xA600] =	vst v63  }
0x3e: {  	_ = 	snop  }
0x3f: {  	[tilespmem:s15], [sflag:$0x1] =	stream.indirect.gather [hbm4b:s3+s10], $0x10, s14, s10, $0xb8;
	[tilespmem:$0xA600] =	vst v63  }
0x40: {  	_ = 	snop  }
0x41: {  	[tilespmem:s17], [sflag:$0x1] =	stream.indirect.gather [hbm4b:s3+s10], $0x10, s16, s10, $0xb8;
	[tilespmem:$0xA600] =	vst v63  }
0x42: {  	_ = 	snop  }
0x43: {  	[tilespmem:s19], [sflag:$0x1] =	stream.indirect.gather [hbm4b:s3+s10], $0x10, s18, s10, $0xb8;
	[tilespmem:$0xA600] =	vst v63  }
0x44: {  	_ = 	snop  }
0x45: {  	[tilespmem:s21], [sflag:$0x1] =	stream.indirect.gather [hbm4b:s3+s10], $0x10, s20, s10, $0xb8;
	[tilespmem:$0xA600] =	vst v63  }
0x46: {  	_ = 	snop  }
0x47: {  	[tilespmem:s23], [sflag:$0x1] =	stream.indirect.gather [hbm4b:s3+s10], $0x10, s22, s10, $0xb8;
	[tilespmem:$0xA600] =	vst v63  }
0x48: {  	_ = 	snop  }
0x49: {  	[tilespmem:s25], [sflag:$0x1] =	stream.indirect.gather [hbm4b:s3+s10], $0x10, s24, s10, $0xb8;
	[tilespmem:$0xA600] =	vst v63  }
0x4a: {  	_ =	swait.ge [sflag:s26], $0x800  }
0x4b: {  	[sflag:s26] =	ssyncset.done $0x0  }
0x4c: {  	[sflag:s26] =	ssyncadd.s32 $0xFFFFF800  }
0x4d: {  	_ =	swait.ge [sflag:s26], $0x800  }
0x4e: {  	[sflag:s26] =	ssyncset.done $0x0  }
0x4f: {  	[sflag:s26] =	ssyncadd.s32 $0xFFFFF800  }
0x50: {  	_ =	swait.ge [sflag:s26], $0x800  }
0x51: {  	[sflag:s26] =	ssyncset.done $0x0  }
0x52: {  	[sflag:s26] =	ssyncadd.s32 $0xFFFFF800  }
0x53: {  	_ =	swait.ge [sflag:s26], $0x800  }
0x54: {  	[sflag:s26] =	ssyncset.done $0x0  }
0x55: {  	[sflag:s26] =	ssyncadd.s32 $0xFFFFF800  }
0x56: {  	_ =	swait.ge [sflag:s26], $0x800  }
0x57: {  	[sflag:s26] =	ssyncset.done $0x0  }
0x58: {  	[sflag:s26] =	ssyncadd.s32 $0xFFFFF800  }
0x59: {  	_ =	swait.ge [sflag:s26], $0x800  }
0x5a: {  	[sflag:s26] =	ssyncset.done $0x0  }
0x5b: {  	[sflag:s26] =	ssyncadd.s32 $0xFFFFF800  }
0x5c: {  	_ =	swait.ge [sflag:s26], $0x800  }
0x5d: {  	[sflag:s26] =	ssyncset.done $0x0  }
0x5e: {  	s13 =	simm.s32 $0x0;
	[sflag:s26] =	ssyncadd.s32 $0xFFFFF800  }
0x5f: {  	v2 =	vor.u32 s13, v0;
	_ =	swait.ge [sflag:s26], $0x800  }
0x60: {  	v3 =	vand.u32 v1, v2;
	[sflag:s26] =	ssyncset.done $0x0  }
0x61: {  	[sflag:s26] =	ssyncadd.s32 $0xFFFFF800  }
0x62: {  	_ =	swait.ge [sflag:s28], $0x2000  }
0x63: {  	[sflag:s28] =	ssyncset.done $0x0  }
0x64: {  	[sflag:s28] =	ssyncadd.s32 $0xFFFFE000  }
0x65: {  	v3 =	vld.idx.msk [tilespmem:v3+s2+$0x0], $0xffff;
	_ =	sdelay $0x4  }
0x66: {  	v3 =	vmul.u32 $0x9, v3;
	_ =	sdelay $0x1  }
0x67: {  	v4 =	vshll.u32 v2, $0x5;
	v5 =	vand.u32 $0xF, v3  }
0x68: {  	v8 =	vor.u32 v4, v5  }
0x69: {  	v6 =	vadd.s32 $0x3, v8;
	_ =	sdelay $0x1  }
0x6a: {  	v7 =	vadd.s32 $0x4, v8;
	_ =	sdelay $0x1  }
0x6b: {  	v9 =	vadd.s32 $0x5, v8  }
0x6c: {  	v6 =	vld.idx.msk [tilespmem:v6+s11+$0x0], $0xffff;
	_ =	sdelay $0x1  }
0x6d: {  	v7 =	vld.idx.msk [tilespmem:v7+s11+$0x0], $0xffff;
	_ =	sdelay $0x1  }
0x6e: {  	v9 =	vld.idx.msk [tilespmem:v9+s11+$0x0], $0xffff  }
0x6f: {  	v6 =	vadd.f32 $1.000000000e+00, v6;
	_ =	sdelay $0x1  }
0x70: {  	v11 =	vmul.f32 v7, v7;
	v10 =	vmul.f32 v6, v6;
	_ =	sdelay $0x1  }
0x71: {  	v10 =	vadd.f32 v11, v10;
	v11 =	vmul.f32 v9, v9;
	_ =	sdelay $0x1  }
0x72: {  	v10 =	vadd.f32 v11, v10;
	_ =	sdelay $0x1  }
0x73: {  	v10 =	vmax.f32 v10, $1.000000020e-24  }
0x74: {  	v11 =	vshra.s32 v10, $0x1;
	v10 =	vmul.f32 $5.000000000e-01, v10  }
0x75: {  	v11 =	vsub.s32 $0x5F3759DF, v11  }
0x76: {  	v12 =	vmul.f32 v11, v10;
	_ =	sdelay $0x1  }
0x77: {  	v12 =	vmul.f32 v11, v12;
	_ =	sdelay $0x1  }
0x78: {  	v12 =	vsub.f32 $1.500000000e+00, v12;
	_ =	sdelay $0x1  }
0x79: {  	v11 =	vmul.f32 v11, v12;
	_ =	sdelay $0x1  }
0x7a: {  	v12 =	vmul.f32 v11, v10;
	_ =	sdelay $0x1  }
0x7b: {  	v12 =	vmul.f32 v12, v11;
	_ =	sdelay $0x1  }
0x7c: {  	v12 =	vsub.f32 $1.500000000e+00, v12;
	_ =	sdelay $0x1  }
0x7d: {  	v13 =	vadd.s32 $0x7, v8;
	v11 =	vmul.f32 v12, v11  }
0x7e: {  	v3 =	vand.u32 $0x7, v3;
	v5 =	vadd.s32 $0x8, v5  }
0x7f: {  	v5 =	vand.u32 $0x18, v5;
	v12 =	vadd.s32 $0x6, v8;
	v10 =	vmul.f32 v11, v10  }
0x80: {  	v3 =	vor.u32 v5, v3  }
0x81: {  	v3 =	vor.u32 v4, v3;
	v4 =	vmul.f32 v10, v11  }
0x82: {  	v5 =	vld.idx.msk [tilespmem:v13+s11+$0x0], $0xffff  }
0x83: {  	v4 =	vsub.f32 $1.500000000e+00, v4  }
0x84: {  	v10 =	vld.idx.msk [tilespmem:v12+s11+$0x0], $0xffff  }
0x85: {  	v4 =	vmul.f32 v4, v11  }
0x86: {  	v3 =	vld.idx.msk [tilespmem:v3+s11+$0x0], $0xffff  }
0x87: {  	v5 =	vadd.f32 $1.000000000e+00, v5;
	v13 =	vmul.f32 v4, v6;
	v19 =	vmul.f32 v4, v7  }
0x88: {  	v17 =	vmul.f32 v4, v9  }
0x89: {  	v4 =	vmul.f32 v13, v10;
	v6 =	vmul.f32 v19, v5;
	_ =	sdelay $0x1  }
0x8a: {  	v4 =	vadd.f32 v6, v4;
	v6 =	vmul.f32 v17, v3;
	_ =	sdelay $0x1  }
0x8b: {  	v4 =	vadd.f32 v4, v6;
	_ =	sdelay $0x1  }
0x8c: {  	v6 =	vmul.f32 v4, v13;
	v7 =	vmul.f32 v4, v19;
	_ =	sdelay $0x1  }
0x8d: {  	v4 =	vmul.f32 v4, v17;
	v28 =	vsub.f32 v10, v6;
	v29 =	vsub.f32 v5, v7  }
0x8e: {  	v10 =	vmul.u32 $0x18, v2  }
0x8f: {  	v34 =	vsub.f32 v3, v4;
	v2 =	vmul.f32 v28, v28;
	v3 =	vmul.f32 v29, v29  }
0x90: {  	v20 =	vadd.s32 $0x2, v8  }
0x91: {  	v11 =	vadd.s32 $0x1, v8;
	v5 =	vmul.f32 v34, v34;
	v3 =	vadd.f32 v3, v2;
	_ =	sdelay $0x1  }
0x92: {  	v4 =	vor.u32 $0x4, v10;
	v3 =	vadd.f32 v3, v5  }
0x93: {  	v25 =	vld.idx.msk [tilespmem:v8+s11+$0x0], $0xffff;
	v7 =	vor.u32 $0x5, v10  }
0x94: {  	v31 =	vld.idx.msk [tilespmem:v20+s11+$0x0], $0xffff;
	v12 =	vor.u32 $0x1, v10;
	v3 =	vmax.f32 v3, $1.000000020e-24  }
0x95: {  	v22 =	vld.idx.msk [tilespmem:v11+s11+$0x0], $0xffff;
	v11 =	vadd.s32 $0xA, v10;
	v6 =	vshra.s32 v3, $0x1;
	v21 =	vmul.f32 $5.000000000e-01, v3  }
0x96: {  	v2 =	vadd.s32 $0xD, v10;
	v32 =	vld.idx.msk [tilespmem:v10+s29+$0x0], $0xffff;
	v15 =	vsub.s32 $0x5F3759DF, v6  }
0x97: {  	v5 =	vadd.s32 $0x8, v10;
	v39 =	vld.idx.msk [tilespmem:v4+s29+$0x0], $0xffff;
	v3 =	vmul.f32 v15, v21  }
0x98: {  	v23 =	vld.idx.msk [tilespmem:v7+s29+$0x0], $0xffff;
	v6 =	vadd.s32 $0x9, v10  }
0x99: {  	v16 =	vor.u32 $0x2, v10;
	v30 =	vld.idx.msk [tilespmem:v12+s29+$0x0], $0xffff;
	v14 =	vmul.f32 v15, v3  }
0x9a: {  	v20 =	vld.idx.msk [tilespmem:v11+s29+$0x0], $0xffff;
	v3 =	vadd.s32 $0xC, v10  }
0x9b: {  	v9 =	vld.idx.msk [tilespmem:v2+s29+$0x0], $0xffff;
	v26 =	vsub.f32 $1.500000000e+00, v14;
	v14 =	vor.u32 $0x6, v10  }
0x9c: {  	v8 =	vadd.s32 $0xE, v10;
	v24 =	vld.idx.msk [tilespmem:v5+s29+$0x0], $0xffff  }
0x9d: {  	v18 =	vld.idx.msk [tilespmem:v6+s29+$0x0], $0xffff;
	v33 =	vmul.f32 v15, v26  }
0x9e: {  	v26 =	vld.idx.msk [tilespmem:v16+s29+$0x0], $0xffff  }
0x9f: {  	v38 =	vmul.f32 v32, v25;
	v46 =	vld.idx.msk [tilespmem:v3+s29+$0x0], $0xffff;
	v15 =	vmul.f32 v33, v21  }
0xa0: {  	v35 =	vmul.f32 v30, v22;
	v36 =	vmul.f32 v23, v22;
	v27 =	vld.idx.msk [tilespmem:v14+s29+$0x0], $0xffff  }
0xa1: {  	v40 =	vmul.f32 v39, v25;
	v41 =	vmul.f32 v15, v33;
	v15 =	vld.idx.msk [tilespmem:v8+s29+$0x0], $0xffff  }
0xa2: {  	v61 =	vmul.f32 v20, v31;
	v37 =	vmul.f32 v9, v22;
	v35 =	vadd.f32 v35, v38  }
0xa3: {  	v42 =	vmul.f32 v24, v25;
	v43 =	vmul.f32 v18, v22;
	v41 =	vsub.f32 $1.500000000e+00, v41  }
0xa4: {  	v36 =	vadd.f32 v36, v40;
	v22 =	vmul.f32 v17, v24;
	v25 =	vmul.f32 v46, v25  }
0xa5: {  	v40 =	vor.u32 $0x3, v10;
	v60 =	vmul.f32 v26, v31;
	v44 =	vmul.f32 v41, v33  }
0xa6: {  	v62 =	vmul.f32 v27, v31;
	v25 =	vadd.f32 v37, v25;
	v31 =	vmul.f32 v15, v31  }
0xa7: {  	v42 =	vadd.f32 v43, v42;
	v41 =	vadd.f32 v60, v35;
	v63 =	vmul.f32 v44, v21  }
0xa8: {  	v35 =	vmul.f32 v13, v24;
	v21 =	vadd.f32 v31, v25;
	v25 =	vadd.s32 $0xB, v10  }
0xa9: {  	v33 =	vmul.f32 v19, v24;
	v37 =	vor.u32 $0x7, v10;
	v24 =	vmul.f32 v63, v44  }
0xaa: {  	v38 =	vmul.f32 v13, v46;
	v42 =	vadd.f32 v61, v42;
	v43 =	vadd.f32 v62, v36  }
0xab: {  	s0 =	simm.s32 $0x10;
	s1 =	simm.s32 $0x20;
	v36 =	vmul.f32 v17, v46;
	v31 =	vmul.f32 v19, v46;
	v45 =	vsub.f32 $1.500000000e+00, v24  }
.LBB2_6:
0xac: {  	p0 =	sne.s32 s1, $0x1F0;
	v24 =	vor.u32 s0, v0;
	v46 =	vmul.f32 v19, v39;
	v47 =	vmul.f32 v17, v39;
	s0 =	smov.u32 s1;
	s1 =	sadd.s32 $0x10, s1  }
0xad: {  	v39 =	vmul.f32 v13, v39;
	v48 =	vand.u32 v1, v24;
	v49 =	vld.idx.msk [tilespmem:v25+s29+$0x0], $0xffff;
	v44 =	vmul.f32 v45, v44  }
0xae: {  	v50 =	vmul.f32 v19, v32;
	v51 =	vmul.f32 v17, v32;
	v45 =	vld.idx.msk [tilespmem:v37+s29+$0x0], $0xffff  }
0xaf: {  	v52 =	vld.idx.msk [tilespmem:v40+s29+$0x0], $0xffff;
	v29 =	vmul.f32 v44, v29;
	v34 =	vmul.f32 v44, v34  }
0xb0: {  	v32 =	vmul.f32 v13, v32;
	v28 =	vmul.f32 v44, v28  }
0xb1: {  	v44 =	vmul.f32 v34, v19;
	v53 =	vmul.f32 v34, v9  }
0xb2: {  	v54 =	vadd.s32 $0xF, v10;
	v55 =	vmul.f32 v28, v17;
	v56 =	vmul.f32 v34, v30  }
0xb3: {  	v19 =	vmul.f32 v28, v19;
	v57 =	vmul.f32 v28, v30;
	v42 =	vadd.f32 v42, v49  }
0xb4: {  	v17 =	vmul.f32 v29, v17;
	v30 =	vmul.f32 v29, v30;
	v43 =	vadd.f32 v43, v45  }
0xb5: {  	v45 =	vmul.f32 v29, v13;
	v32 =	vadd.f32 v57, v32;
	v41 =	vadd.f32 v41, v52  }
0xb6: {  	v49 =	vmul.f32 v28, v18;
	v17 =	vsub.f32 v44, v17;
	v44 =	vmul.f32 v29, v23  }
0xb7: {  	v13 =	vmul.f32 v34, v13;
	v51 =	vadd.f32 v56, v51;
	v52 =	vmul.f32 v28, v23  }
0xb8: {  	v23 =	vmul.f32 v34, v23;
	v19 =	vsub.f32 v45, v19;
	v45 =	vmul.f32 v17, v15  }
0xb9: {  	v30 =	vadd.f32 v30, v50;
	v13 =	vsub.f32 v55, v13;
	v55 =	vmul.f32 v17, v26  }
0xba: {  	v50 =	vshll.u32 v24, $0x5;
	v56 =	vmul.f32 v19, v26;
	v57 =	vmul.f32 v19, v20  }
0xbb: {  	v32 =	vadd.f32 v55, v32;
	v26 =	vmul.f32 v13, v26;
	v55 =	vmul.f32 v19, v27  }
0xbc: {  	v58 =	vmul.f32 v13, v20;
	v51 =	vadd.f32 v56, v51;
	v56 =	vmul.f32 v13, v27  }
0xbd: {  	v26 =	vadd.f32 v26, v30;
	v27 =	vmul.f32 v17, v27;
	v13 =	vmul.f32 v13, v15;
	v59 =	vld.idx.msk [tilespmem:v54+s29+$0x0], $0xffff  }
0xbe: {  	v30 =	vadd.f32 v44, v46;
	[tilespmem:v10+s30+$0x0] =	vst.idx.msk $0xffff, v32;
	v10 =	vadd.f32 v52, v39  }
0xbf: {  	[tilespmem:v12+s30+$0x0] =	vst.idx.msk $0xffff, v26;
	v12 =	vadd.f32 v23, v47;
	v23 =	vmul.f32 v29, v18  }
0xc0: {  	[tilespmem:v16+s30+$0x0] =	vst.idx.msk $0xffff, v51;
	v10 =	vadd.f32 v27, v10;
	v16 =	vadd.f32 v56, v30  }
0xc1: {  	v18 =	vmul.f32 v34, v18;
	[tilespmem:v40+s30+$0x0] =	vst.idx.msk $0xffff, v41;
	v12 =	vadd.f32 v55, v12  }
0xc2: {  	[tilespmem:v4+s30+$0x0] =	vst.idx.msk $0xffff, v10;
	v4 =	vadd.f32 v49, v35;
	v10 =	vmul.f32 v17, v20  }
0xc3: {  	[tilespmem:v7+s30+$0x0] =	vst.idx.msk $0xffff, v16;
	v7 =	vadd.f32 v23, v33;
	v16 =	vmul.f32 v28, v9  }
0xc4: {  	[tilespmem:v14+s30+$0x0] =	vst.idx.msk $0xffff, v12;
	v4 =	vadd.f32 v10, v4;
	v10 =	vadd.f32 v18, v22  }
0xc5: {  	v9 =	vmul.f32 v29, v9;
	[tilespmem:v37+s30+$0x0] =	vst.idx.msk $0xffff, v43;
	v7 =	vadd.f32 v58, v7  }
0xc6: {  	[tilespmem:v5+s30+$0x0] =	vst.idx.msk $0xffff, v4;
	v4 =	vadd.f32 v57, v10;
	v5 =	vadd.f32 v16, v38  }
0xc7: {  	[tilespmem:v6+s30+$0x0] =	vst.idx.msk $0xffff, v7;
	v6 =	vadd.f32 v9, v31;
	v7 =	vadd.f32 v53, v36  }
0xc8: {  	[tilespmem:v11+s30+$0x0] =	vst.idx.msk $0xffff, v4;
	v4 =	vadd.f32 v45, v5;
	v5 =	vmul.f32 v19, v15  }
0xc9: {  	[tilespmem:v25+s30+$0x0] =	vst.idx.msk $0xffff, v42;
	v6 =	vadd.f32 v13, v6  }
0xca: {  	[tilespmem:v3+s30+$0x0] =	vst.idx.msk $0xffff, v4;
	v3 =	vadd.f32 v5, v7  }
0xcb: {  	[tilespmem:v2+s30+$0x0] =	vst.idx.msk $0xffff, v6;
	v2 =	vadd.f32 v21, v59  }
0xcc: {  	[tilespmem:v8+s30+$0x0] =	vst.idx.msk $0xffff, v3  }
0xcd: {  	[tilespmem:v54+s30+$0x0] =	vst.idx.msk $0xffff, v2  }
0xce: {  	v2 =	vld.idx.msk [tilespmem:v48+s2+$0x0], $0xffff;
	_ =	sdelay $0x5  }
0xcf: {  	v2 =	vmul.u32 $0x9, v2;
	_ =	sdelay $0x1  }
0xd0: {  	v3 =	vand.u32 $0xF, v2  }
0xd1: {  	v2 =	vand.u32 $0x7, v2;
	v8 =	vor.u32 v50, v3;
	v3 =	vadd.s32 $0x8, v3  }
0xd2: {  	v4 =	vadd.s32 $0x3, v8;
	v5 =	vadd.s32 $0x4, v8;
	v6 =	vadd.s32 $0x7, v8  }
0xd3: {  	v7 =	vadd.s32 $0x5, v8;
	v9 =	vadd.s32 $0x6, v8;
	v3 =	vand.u32 $0x18, v3  }
0xd4: {  	v11 =	vadd.s32 $0x1, v8;
	v15 =	vadd.s32 $0x2, v8;
	v2 =	vor.u32 v3, v2  }
0xd5: {  	v2 =	vor.u32 v50, v2;
	_ =	sdelay $0x1  }
0xd6: {  	v3 =	vld.idx.msk [tilespmem:v4+s11+$0x0], $0xffff  }
0xd7: {  	v4 =	vld.idx.msk [tilespmem:v7+s11+$0x0], $0xffff  }
0xd8: {  	v5 =	vld.idx.msk [tilespmem:v5+s11+$0x0], $0xffff;
	_ =	sdelay $0x3  }
0xd9: {  	v3 =	vadd.f32 $1.000000000e+00, v3;
	_ =	sdelay $0x1  }
0xda: {  	v7 =	vmul.f32 v3, v3;
	v10 =	vmul.f32 v5, v5;
	_ =	sdelay $0x1  }
0xdb: {  	v7 =	vadd.f32 v10, v7;
	v10 =	vmul.f32 v4, v4;
	_ =	sdelay $0x1  }
0xdc: {  	v7 =	vadd.f32 v10, v7;
	_ =	sdelay $0x1  }
0xdd: {  	v7 =	vmax.f32 v7, $1.000000020e-24  }
0xde: {  	v10 =	vshra.s32 v7, $0x1;
	v7 =	vmul.f32 $5.000000000e-01, v7  }
0xdf: {  	v10 =	vsub.s32 $0x5F3759DF, v10  }
0xe0: {  	v12 =	vmul.f32 v10, v7;
	_ =	sdelay $0x1  }
0xe1: {  	v12 =	vmul.f32 v10, v12;
	_ =	sdelay $0x1  }
0xe2: {  	v12 =	vsub.f32 $1.500000000e+00, v12;
	_ =	sdelay $0x1  }
0xe3: {  	v10 =	vmul.f32 v10, v12;
	_ =	sdelay $0x1  }
0xe4: {  	v12 =	vmul.f32 v10, v7;
	_ =	sdelay $0x1  }
0xe5: {  	v12 =	vmul.f32 v12, v10;
	_ =	sdelay $0x1  }
0xe6: {  	v12 =	vsub.f32 $1.500000000e+00, v12;
	_ =	sdelay $0x1  }
0xe7: {  	v10 =	vmul.f32 v12, v10;
	_ =	sdelay $0x1  }
0xe8: {  	v7 =	vmul.f32 v10, v7;
	_ =	sdelay $0x1  }
0xe9: {  	v7 =	vmul.f32 v7, v10;
	v6 =	vld.idx.msk [tilespmem:v6+s11+$0x0], $0xffff;
	_ =	sdelay $0x1  }
0xea: {  	v7 =	vsub.f32 $1.500000000e+00, v7;
	v9 =	vld.idx.msk [tilespmem:v9+s11+$0x0], $0xffff;
	_ =	sdelay $0x1  }
0xeb: {  	v14 =	vld.idx.msk [tilespmem:v2+s11+$0x0], $0xffff;
	v2 =	vmul.f32 v7, v10;
	_ =	sdelay $0x1  }
0xec: {  	v6 =	vadd.f32 $1.000000000e+00, v6;
	v13 =	vmul.f32 v2, v3;
	v19 =	vmul.f32 v2, v5  }
0xed: {  	v10 =	vmul.u32 $0x18, v24;
	v17 =	vmul.f32 v2, v4  }
0xee: {  	v2 =	vmul.f32 v13, v9;
	v5 =	vmul.f32 v19, v6  }
0xef: {  	v3 =	vadd.s32 $0xC, v10  }
0xf0: {  	v4 =	vor.u32 $0x4, v10;
	v7 =	vmul.f32 v17, v14;
	v5 =	vadd.f32 v5, v2;
	_ =	sdelay $0x1  }
0xf1: {  	v2 =	vadd.s32 $0xD, v10;
	v5 =	vadd.f32 v5, v7  }
0xf2: {  	v7 =	vor.u32 $0x5, v10  }
0xf3: {  	v12 =	vor.u32 $0x1, v10;
	v24 =	vld.idx.msk [tilespmem:v3+s29+$0x0], $0xffff;
	v16 =	vmul.f32 v5, v13;
	v18 =	vmul.f32 v5, v19  }
0xf4: {  	v20 =	vmul.f32 v5, v17;
	v39 =	vld.idx.msk [tilespmem:v4+s29+$0x0], $0xffff  }
0xf5: {  	v5 =	vadd.s32 $0x8, v10;
	v32 =	vld.idx.msk [tilespmem:v10+s29+$0x0], $0xffff;
	v28 =	vsub.f32 v9, v16;
	v29 =	vsub.f32 v6, v18  }
0xf6: {  	v6 =	vadd.s32 $0x9, v10;
	v9 =	vld.idx.msk [tilespmem:v2+s29+$0x0], $0xffff  }
0xf7: {  	v34 =	vsub.f32 v14, v20;
	v23 =	vld.idx.msk [tilespmem:v7+s29+$0x0], $0xffff;
	v14 =	vmul.f32 v28, v28;
	v18 =	vmul.f32 v29, v29  }
0xf8: {  	v30 =	vld.idx.msk [tilespmem:v12+s29+$0x0], $0xffff  }
0xf9: {  	v16 =	vor.u32 $0x2, v10;
	v20 =	vmul.f32 v34, v34;
	v21 =	vld.idx.msk [tilespmem:v11+s11+$0x0], $0xffff;
	v18 =	vadd.f32 v18, v14  }
0xfa: {  	v11 =	vadd.s32 $0xA, v10;
	v25 =	vld.idx.msk [tilespmem:v5+s29+$0x0], $0xffff  }
0xfb: {  	v14 =	vor.u32 $0x6, v10;
	v31 =	vld.idx.msk [tilespmem:v8+s11+$0x0], $0xffff;
	v20 =	vadd.f32 v18, v20  }
0xfc: {  	v8 =	vadd.s32 $0xE, v10;
	v18 =	vld.idx.msk [tilespmem:v6+s29+$0x0], $0xffff  }
0xfd: {  	v33 =	vld.idx.msk [tilespmem:v15+s11+$0x0], $0xffff;
	v15 =	vmax.f32 v20, $1.000000020e-24  }
0xfe: {  	v26 =	vld.idx.msk [tilespmem:v16+s29+$0x0], $0xffff;
	v22 =	vshra.s32 v15, $0x1;
	v36 =	vmul.f32 $5.000000000e-01, v15  }
0xff: {  	v37 =	vmul.f32 v23, v21;
	v20 =	vld.idx.msk [tilespmem:v11+s29+$0x0], $0xffff;
	v35 =	vsub.s32 $0x5F3759DF, v22;
	v22 =	vmul.f32 v30, v21  }
0x100: {  	v40 =	vmul.f32 v9, v21;
	v27 =	vld.idx.msk [tilespmem:v14+s29+$0x0], $0xffff;
	v38 =	vmul.f32 v35, v36  }
0x101: {  	v41 =	vmul.f32 v32, v31;
	v42 =	vmul.f32 v39, v31;
	v15 =	vld.idx.msk [tilespmem:v8+s29+$0x0], $0xffff  }
0x102: {  	v43 =	vmul.f32 v25, v31;
	v38 =	vmul.f32 v35, v38  }
0x103: {  	v21 =	vmul.f32 v18, v21;
	v41 =	vadd.f32 v22, v41;
	v37 =	vadd.f32 v37, v42  }
0x104: {  	v22 =	vmul.f32 v17, v25;
	v42 =	vmul.f32 v26, v33;
	v38 =	vsub.f32 $1.500000000e+00, v38  }
0x105: {  	v31 =	vmul.f32 v24, v31;
	v21 =	vadd.f32 v21, v43;
	v43 =	vmul.f32 v20, v33  }
0x106: {  	v41 =	vadd.f32 v42, v41;
	v38 =	vmul.f32 v35, v38;
	v35 =	vmul.f32 v27, v33  }
0x107: {  	v42 =	vadd.f32 v43, v21;
	v21 =	vadd.f32 v40, v31;
	v31 =	vmul.f32 v15, v33  }
0x108: {  	v40 =	vmul.f32 v38, v36;
	v43 =	vadd.f32 v35, v37;
	v35 =	vmul.f32 v13, v25  }
0x109: {  	v33 =	vmul.f32 v19, v25;
	v21 =	vadd.f32 v31, v21  }
0x10a: {  	v25 =	vmul.f32 v40, v38;
	_ =	sdelay $0x1  }
0x10b: {  	v25 =	vsub.f32 $1.500000000e+00, v25;
	_ =	sdelay $0x1  }
0x10c: {  	v44 =	vmul.f32 v25, v38;
	_ =	sdelay $0x1  }
.Ltmp2:
0x10d: {  	v31 =	vmul.f32 v44, v36;
	(pc) =	sbr.rel @p0 .LBB2_6-.Ltmp2, $4  }
0x10e: {  	v25 =	vadd.s32 $0xB, v10  }
0x10f: {  	v37 =	vor.u32 $0x7, v10;
	v36 =	vmul.f32 v31, v44  }
0x110: {  	v40 =	vor.u32 $0x3, v10;
	v31 =	vmul.f32 v19, v24  }
0x111: {  	v38 =	vmul.f32 v13, v24;
	v45 =	vsub.f32 $1.500000000e+00, v36;
	v36 =	vmul.f32 v17, v24  }
0x112: {  	_ =	sdelay $0x1  }
0x113: {  	v24 =	vmul.f32 v19, v39;
	v46 =	vmul.f32 v17, v39  }
0x114: {  	v39 =	vmul.f32 v13, v39;
	v44 =	vmul.f32 v45, v44  }
0x115: {  	v47 =	vmul.f32 v17, v32;
	v48 =	vld.idx.msk [tilespmem:v25+s29+$0x0], $0xffff;
	v61 =	vmul.f32 v13, v32  }
0x116: {  	v49 =	vld.idx.msk [tilespmem:v37+s29+$0x0], $0xffff;
	v45 =	vmul.f32 v19, v32;
	v34 =	vmul.f32 v44, v34  }
0x117: {  	v62 =	vld.idx.msk [tilespmem:v40+s29+$0x0], $0xffff;
	v29 =	vmul.f32 v44, v29;
	v28 =	vmul.f32 v44, v28  }
0x118: {  	v50 =	vmul.f32 v34, v19;
	v51 =	vmul.f32 v34, v9  }
0x119: {  	v52 =	vmul.f32 v28, v17;
	v53 =	vmul.f32 v34, v30  }
0x11a: {  	v54 =	vadd.s32 $0xF, v10;
	v63 =	vmul.f32 v28, v19;
	v55 =	vmul.f32 v28, v30  }
0x11b: {  	v42 =	vadd.f32 v42, v48;
	v57 =	vmul.f32 v29, v17;
	v58 =	vmul.f32 v29, v30  }
0x11c: {  	v43 =	vadd.f32 v43, v49;
	v59 =	vmul.f32 v29, v13;
	v41 =	vadd.f32 v41, v62  }
0x11d: {  	v44 =	vmul.f32 v29, v23;
	v60 =	vmul.f32 v34, v13;
	v32 =	vadd.f32 v55, v61  }
0x11e: {  	v49 =	vmul.f32 v28, v18;
	v17 =	vsub.f32 v50, v57;
	v47 =	vadd.f32 v53, v47  }
0x11f: {  	v50 =	vmul.f32 v28, v23;
	v19 =	vsub.f32 v59, v63;
	v13 =	vsub.f32 v52, v60  }
0x120: {  	v23 =	vmul.f32 v34, v23;
	v30 =	vadd.f32 v58, v45;
	v24 =	vadd.f32 v44, v24  }
0x121: {  	v44 =	vadd.f32 v49, v35;
	v48 =	vmul.f32 v17, v15;
	v61 =	vmul.f32 v17, v26  }
0x122: {  	v57 =	vadd.f32 v51, v36;
	v62 =	vmul.f32 v19, v26;
	v63 =	vmul.f32 v13, v26  }
0x123: {  	v53 =	vmul.f32 v19, v20;
	v52 =	vmul.f32 v19, v27;
	v32 =	vadd.f32 v61, v32  }
0x124: {  	v60 =	vmul.f32 v13, v27;
	v45 =	vadd.f32 v62, v47;
	v26 =	vadd.f32 v63, v30  }
0x125: {  	v56 =	vld.idx.msk [tilespmem:v54+s29+$0x0], $0xffff;
	v62 =	vmul.f32 v17, v27;
	v63 =	vadd.f32 v50, v39;
	[tilespmem:v10+s30+$0x0] =	vst.idx.msk $0xffff, v32  }
0x126: {  	v61 =	vmul.f32 v13, v20;
	v30 =	vadd.f32 v23, v46;
	[tilespmem:v12+s30+$0x0] =	vst.idx.msk $0xffff, v26  }
0x127: {  	v39 =	vadd.f32 v60, v24;
	v10 =	vadd.f32 v62, v63;
	[tilespmem:v16+s30+$0x0] =	vst.idx.msk $0xffff, v45  }
0x128: {  	v32 =	vmul.f32 v29, v18;
	v12 =	vadd.f32 v52, v30;
	[tilespmem:v40+s30+$0x0] =	vst.idx.msk $0xffff, v41  }
0x129: {  	v45 =	vmul.f32 v17, v20;
	v41 =	vmul.f32 v34, v18;
	[tilespmem:v4+s30+$0x0] =	vst.idx.msk $0xffff, v10  }
0x12a: {  	v47 =	vmul.f32 v28, v9;
	v46 =	vadd.f32 v32, v33;
	[tilespmem:v7+s30+$0x0] =	vst.idx.msk $0xffff, v39  }
0x12b: {  	v4 =	vadd.f32 v45, v44;
	v49 =	vadd.f32 v41, v22;
	[tilespmem:v14+s30+$0x0] =	vst.idx.msk $0xffff, v12  }
0x12c: {  	v50 =	vmul.f32 v29, v9;
	v7 =	vadd.f32 v61, v46;
	[tilespmem:v37+s30+$0x0] =	vst.idx.msk $0xffff, v43  }
0x12d: {  	v52 =	vadd.f32 v53, v49;
	v53 =	vadd.f32 v47, v38;
	[tilespmem:v5+s30+$0x0] =	vst.idx.msk $0xffff, v4  }
0x12e: {  	v13 =	vmul.f32 v13, v15;
	v55 =	vadd.f32 v50, v31;
	[tilespmem:v6+s30+$0x0] =	vst.idx.msk $0xffff, v7  }
0x12f: {  	v58 =	vor.u32 s0, v0;
	v60 =	vmul.f32 v19, v15;
	v59 =	vadd.f32 v48, v53;
	[tilespmem:v11+s30+$0x0] =	vst.idx.msk $0xffff, v52  }
0x130: {  	v61 =	vand.u32 v1, v58;
	v6 =	vadd.f32 v13, v55;
	[tilespmem:v25+s30+$0x0] =	vst.idx.msk $0xffff, v42  }
0x131: {  	[tilespmem:v3+s30+$0x0] =	vst.idx.msk $0xffff, v59;
	v3 =	vadd.f32 v60, v57  }
0x132: {  	[tilespmem:v2+s30+$0x0] =	vst.idx.msk $0xffff, v6;
	v2 =	vadd.f32 v21, v56  }
0x133: {  	[tilespmem:v8+s30+$0x0] =	vst.idx.msk $0xffff, v3  }
0x134: {  	[tilespmem:v54+s30+$0x0] =	vst.idx.msk $0xffff, v2  }
0x135: {  	v2 =	vld.idx.msk [tilespmem:v61+s2+$0x0], $0xffff;
	_ =	sdelay $0x4  }
0x136: {  	v2 =	vmul.u32 $0x9, v2;
	_ =	sdelay $0x1  }
0x137: {  	v3 =	vshll.u32 v58, $0x5;
	v62 =	vand.u32 $0xF, v2  }
0x138: {  	v63 =	vor.u32 v3, v62  }
0x139: {  	v30 =	vadd.s32 $0x3, v63;
	_ =	sdelay $0x1  }
0x13a: {  	v31 =	vadd.s32 $0x4, v63;
	_ =	sdelay $0x1  }
0x13b: {  	v32 =	vadd.s32 $0x5, v63  }
0x13c: {  	v5 =	vld.idx.msk [tilespmem:v30+s11+$0x0], $0xffff;
	_ =	sdelay $0x1  }
0x13d: {  	v6 =	vld.idx.msk [tilespmem:v31+s11+$0x0], $0xffff;
	_ =	sdelay $0x1  }
0x13e: {  	v7 =	vld.idx.msk [tilespmem:v32+s11+$0x0], $0xffff  }
0x13f: {  	v5 =	vadd.f32 $1.000000000e+00, v5;
	_ =	sdelay $0x1  }
0x140: {  	v34 =	vmul.f32 v6, v6;
	v33 =	vmul.f32 v5, v5;
	_ =	sdelay $0x1  }
0x141: {  	v35 =	vmul.f32 v7, v7;
	v8 =	vadd.f32 v34, v33;
	_ =	sdelay $0x1  }
0x142: {  	v8 =	vadd.f32 v35, v8;
	_ =	sdelay $0x1  }
0x143: {  	v8 =	vmax.f32 v8, $1.000000020e-24  }
0x144: {  	v36 =	vshra.s32 v8, $0x1;
	v8 =	vmul.f32 $5.000000000e-01, v8  }
0x145: {  	v10 =	vsub.s32 $0x5F3759DF, v36  }
0x146: {  	v37 =	vmul.f32 v10, v8;
	_ =	sdelay $0x1  }
0x147: {  	v12 =	vmul.f32 v10, v37;
	_ =	sdelay $0x1  }
0x148: {  	v12 =	vsub.f32 $1.500000000e+00, v12;
	_ =	sdelay $0x1  }
0x149: {  	v10 =	vmul.f32 v10, v12;
	_ =	sdelay $0x1  }
0x14a: {  	v12 =	vmul.f32 v10, v8;
	_ =	sdelay $0x1  }
0x14b: {  	v12 =	vmul.f32 v12, v10;
	_ =	sdelay $0x1  }
0x14c: {  	v12 =	vsub.f32 $1.500000000e+00, v12;
	_ =	sdelay $0x1  }
0x14d: {  	v38 =	vadd.s32 $0x7, v63;
	v10 =	vmul.f32 v12, v10  }
0x14e: {  	v2 =	vand.u32 $0x7, v2;
	v4 =	vadd.s32 $0x8, v62  }
0x14f: {  	v39 =	vadd.s32 $0x6, v63;
	v4 =	vand.u32 $0x18, v4;
	v8 =	vmul.f32 v10, v8  }
0x150: {  	v2 =	vor.u32 v4, v2  }
0x151: {  	v2 =	vor.u32 v3, v2;
	v3 =	vmul.f32 v8, v10  }
0x152: {  	v40 =	vld.idx.msk [tilespmem:v38+s11+$0x0], $0xffff  }
0x153: {  	v3 =	vsub.f32 $1.500000000e+00, v3  }
0x154: {  	v41 =	vld.idx.msk [tilespmem:v39+s11+$0x0], $0xffff  }
0x155: {  	v3 =	vmul.f32 v3, v10  }
0x156: {  	v2 =	vld.idx.msk [tilespmem:v2+s11+$0x0], $0xffff  }
0x157: {  	v4 =	vadd.f32 $1.000000000e+00, v40;
	v12 =	vmul.f32 v3, v5;
	v13 =	vmul.f32 v3, v6  }
0x158: {  	v14 =	vmul.f32 v3, v7  }
0x159: {  	v3 =	vmul.f32 v12, v41;
	v42 =	vmul.f32 v13, v4;
	_ =	sdelay $0x1  }
0x15a: {  	v43 =	vmul.f32 v14, v2;
	v3 =	vadd.f32 v42, v3;
	_ =	sdelay $0x1  }
0x15b: {  	v3 =	vadd.f32 v3, v43;
	_ =	sdelay $0x1  }
0x15c: {  	v5 =	vmul.f32 v3, v12;
	v6 =	vmul.f32 v3, v13;
	_ =	sdelay $0x1  }
0x15d: {  	v3 =	vmul.f32 v3, v14;
	v15 =	vsub.f32 v41, v5;
	v16 =	vsub.f32 v4, v6;
	_ =	sdelay $0x1  }
0x15e: {  	v17 =	vsub.f32 v2, v3;
	v2 =	vmul.f32 v15, v15;
	v3 =	vmul.f32 v16, v16;
	_ =	sdelay $0x1  }
0x15f: {  	v44 =	vmul.f32 v17, v17;
	v3 =	vadd.f32 v3, v2;
	_ =	sdelay $0x1  }
0x160: {  	v45 =	vadd.s32 $0x1, v63;
	v3 =	vadd.f32 v3, v44  }
0x161: {  	v48 =	vadd.s32 $0x2, v63;
	v10 =	vmul.u32 $0x18, v58  }
0x162: {  	v3 =	vmax.f32 v3, $1.000000020e-24  }
0x163: {  	v18 =	vor.u32 $0x1, v10;
	v46 =	vshra.s32 v3, $0x1;
	v20 =	vmul.f32 $5.000000000e-01, v3  }
0x164: {  	v11 =	vld.idx.msk [tilespmem:v63+s11+$0x0], $0xffff;
	v7 =	vadd.s32 $0x9, v10;
	v47 =	vsub.s32 $0x5F3759DF, v46  }
0x165: {  	v50 =	vld.idx.msk [tilespmem:v45+s11+$0x0], $0xffff;
	v28 =	vor.u32 $0x2, v10;
	v3 =	vmul.f32 v47, v20  }
0x166: {  	v24 =	vld.idx.msk [tilespmem:v48+s11+$0x0], $0xffff;
	v26 =	vadd.s32 $0xA, v10  }
0x167: {  	v30 =	vor.u32 $0x6, v10;
	v21 =	vld.idx.msk [tilespmem:v10+s29+$0x0], $0xffff;
	v49 =	vmul.f32 v47, v3  }
0x168: {  	v9 =	vadd.s32 $0xE, v10;
	v25 =	vld.idx.msk [tilespmem:v18+s29+$0x0], $0xffff  }
0x169: {  	v31 =	vld.idx.msk [tilespmem:v7+s29+$0x0], $0xffff;
	v4 =	vor.u32 $0x4, v10;
	v52 =	vsub.f32 $1.500000000e+00, v49  }
0x16a: {  	v32 =	vld.idx.msk [tilespmem:v28+s29+$0x0], $0xffff;
	v6 =	vor.u32 $0x5, v10  }
0x16b: {  	v36 =	vld.idx.msk [tilespmem:v26+s29+$0x0], $0xffff;
	v5 =	vadd.s32 $0x8, v10;
	v22 =	vmul.f32 v47, v52  }
0x16c: {  	v38 =	vld.idx.msk [tilespmem:v30+s29+$0x0], $0xffff  }
0x16d: {  	v41 =	vld.idx.msk [tilespmem:v9+s29+$0x0], $0xffff;
	v53 =	vmul.f32 v22, v20  }
0x16e: {  	v2 =	vadd.s32 $0xD, v10;
	v19 =	vld.idx.msk [tilespmem:v4+s29+$0x0], $0xffff  }
0x16f: {  	v55 =	vmul.f32 v21, v11;
	v23 =	vld.idx.msk [tilespmem:v6+s29+$0x0], $0xffff;
	v33 =	vmul.f32 v53, v22  }
0x170: {  	v42 =	vmul.f32 v14, v21;
	v61 =	vmul.f32 v25, v50;
	v51 =	vld.idx.msk [tilespmem:v5+s29+$0x0], $0xffff;
	v3 =	vadd.s32 $0xC, v10  }
0x171: {  	v27 =	vmul.f32 v31, v50;
	v58 =	vmul.f32 v32, v24;
	v33 =	vsub.f32 $1.500000000e+00, v33  }
0x172: {  	v59 =	vmul.f32 v36, v24;
	v60 =	vmul.f32 v38, v24  }
0x173: {  	v24 =	vmul.f32 v41, v24;
	v8 =	vld.idx.msk [tilespmem:v2+s29+$0x0], $0xffff;
	v22 =	vmul.f32 v33, v22  }
0x174: {  	v62 =	vmul.f32 v23, v50;
	v56 =	vmul.f32 v19, v11  }
0x175: {  	v40 =	vadd.s32 $0xB, v10;
	v57 =	vmul.f32 v51, v11;
	v54 =	vld.idx.msk [tilespmem:v3+s29+$0x0], $0xffff;
	v20 =	vmul.f32 v22, v20  }
0x176: {  	v35 =	vadd.f32 v61, v55;
	v45 =	vmul.f32 v14, v51;
	v29 =	vmul.f32 v13, v51  }
0x177: {  	v61 =	vadd.f32 v27, v57;
	v27 =	vmul.f32 v13, v21;
	v20 =	vmul.f32 v20, v22  }
0x178: {  	v48 =	vor.u32 $0x7, v10;
	v63 =	vmul.f32 v8, v50;
	v47 =	vmul.f32 v12, v51  }
0x179: {  	v52 =	vmul.f32 v13, v19;
	v53 =	vmul.f32 v14, v19;
	v20 =	vsub.f32 $1.500000000e+00, v20  }
0x17a: {  	v19 =	vmul.f32 v12, v19;
	v11 =	vmul.f32 v54, v11  }
0x17b: {  	v55 =	vadd.s32 $0xF, v10;
	v49 =	vmul.f32 v13, v54;
	v20 =	vmul.f32 v20, v22  }
0x17c: {  	v51 =	vor.u32 $0x3, v10;
	v50 =	vmul.f32 v12, v54;
	v34 =	vmul.f32 v14, v54  }
0x17d: {  	v37 =	vadd.f32 v62, v56;
	v62 =	vld.idx.msk [tilespmem:v48+s29+$0x0], $0xffff;
	v16 =	vmul.f32 v20, v16;
	v17 =	vmul.f32 v20, v17  }
0x17e: {  	v43 =	vld.idx.msk [tilespmem:v40+s29+$0x0], $0xffff;
	v35 =	vadd.f32 v58, v35;
	v15 =	vmul.f32 v20, v15;
	v20 =	vmul.f32 v12, v21  }
0x17f: {  	v11 =	vadd.f32 v63, v11;
	v63 =	vmul.f32 v17, v13;
	v44 =	vmul.f32 v17, v8  }
0x180: {  	v37 =	vadd.f32 v60, v37;
	v46 =	vmul.f32 v15, v14;
	v60 =	vmul.f32 v17, v25  }
0x181: {  	v22 =	vadd.f32 v59, v61;
	v21 =	vld.idx.msk [tilespmem:v51+s29+$0x0], $0xffff;
	v13 =	vmul.f32 v15, v13;
	v61 =	vmul.f32 v15, v25  }
0x182: {  	v33 =	vadd.f32 v37, v62;
	v14 =	vmul.f32 v16, v14;
	v25 =	vmul.f32 v16, v25  }
0x183: {  	v22 =	vadd.f32 v22, v43;
	v62 =	vmul.f32 v16, v12;
	v39 =	vmul.f32 v15, v31  }
0x184: {  	v12 =	vmul.f32 v17, v12;
	v43 =	vmul.f32 v16, v31;
	v20 =	vadd.f32 v61, v20  }
0x185: {  	v14 =	vsub.f32 v63, v14;
	v63 =	vmul.f32 v15, v23;
	v13 =	vsub.f32 v62, v13  }
0x186: {  	v21 =	vadd.f32 v35, v21;
	v35 =	vmul.f32 v16, v23;
	v23 =	vmul.f32 v17, v23  }
0x187: {  	v12 =	vsub.f32 v46, v12;
	v17 =	vmul.f32 v17, v31;
	v37 =	vmul.f32 v14, v41  }
0x188: {  	v42 =	vadd.f32 v60, v42;
	v58 =	vmul.f32 v14, v32;
	v59 =	vmul.f32 v13, v32  }
0x189: {  	v25 =	vadd.f32 v25, v27;
	v54 =	vmul.f32 v13, v36;
	v32 =	vmul.f32 v12, v32  }
0x18a: {  	v46 =	vmul.f32 v13, v38;
	v60 =	vmul.f32 v12, v38;
	v20 =	vadd.f32 v58, v20  }
0x18b: {  	v61 =	vmul.f32 v12, v36;
	v62 =	vmul.f32 v14, v38;
	v25 =	vadd.f32 v32, v25  }
0x18c: {  	v57 =	vld.idx.msk [tilespmem:v55+s29+$0x0], $0xffff;
	v63 =	vadd.f32 v63, v19;
	v27 =	vadd.f32 v59, v42;
	[tilespmem:v10+s30+$0x0] =	vst.idx.msk $0xffff, v20  }
0x18d: {  	v35 =	vadd.f32 v35, v52;
	v38 =	vadd.f32 v23, v53;
	[tilespmem:v18+s30+$0x0] =	vst.idx.msk $0xffff, v25  }
0x18e: {  	v12 =	vmul.f32 v12, v41;
	v10 =	vadd.f32 v62, v63;
	[tilespmem:v28+s30+$0x0] =	vst.idx.msk $0xffff, v27  }
0x18f: {  	v19 =	vadd.f32 v60, v35;
	v18 =	vadd.f32 v46, v38;
	[tilespmem:v51+s30+$0x0] =	vst.idx.msk $0xffff, v21  }
0x190: {  	v46 =	vadd.f32 v39, v47;
	v47 =	vmul.f32 v14, v36;
	[tilespmem:v4+s30+$0x0] =	vst.idx.msk $0xffff, v10  }
0x191: {  	v52 =	vmul.f32 v15, v8;
	v51 =	vadd.f32 v43, v29;
	[tilespmem:v6+s30+$0x0] =	vst.idx.msk $0xffff, v19  }
0x192: {  	v53 =	vadd.f32 v17, v45;
	v4 =	vadd.f32 v47, v46;
	[tilespmem:v30+s30+$0x0] =	vst.idx.msk $0xffff, v18  }
0x193: {  	v8 =	vmul.f32 v16, v8;
	v6 =	vadd.f32 v61, v51;
	[tilespmem:v48+s30+$0x0] =	vst.idx.msk $0xffff, v33  }
0x194: {  	v56 =	vadd.f32 v54, v53;
	v58 =	vadd.f32 v52, v50;
	[tilespmem:v5+s30+$0x0] =	vst.idx.msk $0xffff, v4  }
0x195: {  	v59 =	vadd.f32 v8, v49;
	v60 =	vadd.f32 v44, v34;
	[tilespmem:v7+s30+$0x0] =	vst.idx.msk $0xffff, v6  }
0x196: {  	v62 =	vmul.f32 v13, v41;
	v61 =	vadd.f32 v37, v58;
	[tilespmem:v26+s30+$0x0] =	vst.idx.msk $0xffff, v56  }
0x197: {  	v63 =	vadd.f32 v24, v11;
	v6 =	vadd.f32 v12, v59;
	[tilespmem:v40+s30+$0x0] =	vst.idx.msk $0xffff, v22  }
0x198: {  	[tilespmem:v3+s30+$0x0] =	vst.idx.msk $0xffff, v61;
	v3 =	vadd.f32 v62, v60  }
0x199: {  	[tilespmem:v2+s30+$0x0] =	vst.idx.msk $0xffff, v6;
	v2 =	vadd.f32 v63, v57  }
0x19a: {  	s1 =	simm.s32 $0x2;
	[tilespmem:v9+s30+$0x0] =	vst.idx.msk $0xffff, v3  }
0x19b: {  	s13 =	sadd.s32 $0x0, s6;
	s12 =	simm.s32 $0x7618;
	s0 =	simm.s32 $0x7600;
	[tilespmem:v55+s30+$0x0] =	vst.idx.msk $0xffff, v2  }
.LBB2_8:
0x19c: {  	[hbm4b:s13+s2] =	stream.linear.scatter [tilespmem:s0], [sflag:$0x3], $0x10, $0x38;
	[tilespmem:$0xA600] =	vst v63  }
0x19d: {  	s13 =	smov.u32 s1;
	s0 =	smov.u32 s12;
	p0 =	sne.s32 s1, $0x3FE  }
.Ltmp3:
0x19e: {  	s1 =	sadd.s32 $0x2, s1;
	(pc) =	sbr.rel @p0 .LBB2_8-.Ltmp3, $2  }
0x19f: {  	_ =	sdelay $0x2  }
0x1a0: {  	s12 =	sadd.s32 $0x18, s12;
	s13 =	sadd.s32 s13, s6  }
0x1a1: {  	s31 =	sadd.s32 $0x1, s31  }
0x1a2: {  	p0 =	sne.s32 s31, s7  }
.Ltmp4:
0x1a3: {  	_ = 	snop;
	(pc) =	sbr.rel @p0 .LBB2_1-.Ltmp4, $4  }
0x1a4: {  	[hbm4b:s13+s2] =	stream.linear.scatter [tilespmem:s0], [sflag:$0x3], $0x10, $0x38;
	[tilespmem:$0xA600] =	vst v63  }
0x1a5: {  	_ =	swait.ge [sflag:s8], $0x2000  }
0x1a6: {  	[sflag:s8] =	ssyncset.done $0x0  }
0x1a7: {  	[sflag:s8] =	ssyncadd.s32 $0xFFFFE000  }
0x1a8: {  	_ =	sfence.sel $0x180000  }
0x1a9: {  	[bflag:$0x0] =	sbarrier.arrive $0xFFFF  }
0x1aa: {  	_ =	strace $0x90000047  }
0x1ab: {  	s0 =	stileid.u32;
	[bflag:$0x2] =	sbarrier.arrive $0xFFFF  }
0x1ac: {  	p0 =	sne.s32 s0, $0x0;
	s0 =	rddreg [dreg:$0x3]  }
0x1ad: {  	s0 =	sadd.s32 @!p0 $0x100000, s0  }
0x1ae: {  	[sflag:s0] =	ssyncadd.tile.s32 @!p0 $0x1;
	_ =	shalt  }
.Lfunc_end2:
_tile_overlayer_lowered:
.L_overlay_start_2:
0x1af: {  	(tag) =	ssettag $0x2  }
0x1b0: {  	s0 =	rddreg [dreg:$0x0];
	s2 =	stileid.u32  }
0x1b1: {  	s1 =	rddreg [dreg:$0x1];
	p0 =	sne.s32 s2, $0x0  }
0x1b2: {  	s3 =	rddreg [dreg:$0x2];
	[bflag:$0x3] =	sbarrier.arrive $0xFFFF;
	s2 =	simm.s32 @!p0 $0x1C03  }
0x1b3: {  	[timem:s3], [sflag:s2] =	dma.local @!p0 [hbm:s0], s1  }
0x1b4: {  	s0 =	simm.s32 @!p0 $0x3  }
0x1b5: {  	_ =	swait.ge @!p0 [sflag:s0], s1  }
0x1b6: {  	s1 =	ssub.s32 @!p0 $0x0, s1;
	[sflag:s0] =	ssyncset.done @!p0 $0x0  }
0x1b7: {  	[sflag:s0] =	ssyncadd.s32 @!p0 s1  }
0x1b8: {  	[bflag:$0x3] =	sbarrier.arrive $0xFFFF  }
0x1b9: {  	_ =	shalt  }

</sc_bundles>
